<compile_context>
chip_gen: v7x
topology: tpu7x:2x2x1
jax: 0.10.2.dev20260603
libtpu: 0.0.44.dev20260713+nightly
codegen_flags: <defaults>
</compile_context>

<pallas_src>
import jax
import jax.numpy as jnp
from jax import lax
from jax.experimental import pallas as pl
from jax.experimental.pallas import tpu as pltpu
from jax.experimental.pallas import tpu_sc as plsc

INPUT_DIM = 3
INDEX_WIDTH = 100
FEATURE_SIZE = 64
BATCH = 16384
ROWS = INDEX_WIDTH ** INPUT_DIM

_INFO = plsc.get_sparse_core_info()
_NC, _NS, _L = _INFO.num_cores, _INFO.num_subcores, _INFO.num_lanes
_NW = _NC * _NS
_BPW = BATCH // _NW


def _lookup_body(x0_hbm, x1_hbm, x2_hbm, table_hbm, out_hbm,
                 c0, c1, c2, rows_v, sem):
    wid = lax.axis_index("s") * _NC + lax.axis_index("c")
    base = wid * _BPW

    pltpu.sync_copy(x0_hbm.at[pl.ds(base, _BPW)], c0)
    pltpu.sync_copy(x1_hbm.at[pl.ds(base, _BPW)], c1)
    pltpu.sync_copy(x2_hbm.at[pl.ds(base, _BPW)], c2)

    scale = jnp.float32(INDEX_WIDTH)
    iota = lax.iota(jnp.int32, _L)
    zero16 = jnp.zeros((_L,), jnp.int32)

    def fire(i, carry):
        s = pl.ds(i * _L, _L)
        lin = (c0[s] * scale).astype(jnp.int32)
        lin += (c1[s] * scale).astype(jnp.int32) * INDEX_WIDTH
        lin += (c2[s] * scale).astype(jnp.int32) * (INDEX_WIDTH * INDEX_WIDTH)
        for l in range(_L):
            r = jnp.sum(jnp.where(iota == l, lin, zero16))
            pltpu.make_async_copy(
                table_hbm.at[pl.ds(r, 1), :],
                rows_v.at[pl.ds(i * _L + l, 1), :],
                sem,
            ).start()
        return carry

    lax.fori_loop(0, _BPW // _L, fire, 0)

    pltpu.make_async_copy(
        table_hbm.at[pl.ds(0, _BPW), :], rows_v, sem
    ).wait()

    pltpu.sync_copy(rows_v, out_hbm.at[pl.ds(base, _BPW), :])


@jax.jit
def _lookup(x0, x1, x2, table):
    mesh = plsc.VectorSubcoreMesh(core_axis_name="c", subcore_axis_name="s")
    return pl.kernel(
        _lookup_body,
        out_type=jax.ShapeDtypeStruct((BATCH, FEATURE_SIZE), jnp.float32),
        mesh=mesh,
        scratch_types=[
            pltpu.VMEM((_BPW,), jnp.float32),
            pltpu.VMEM((_BPW,), jnp.float32),
            pltpu.VMEM((_BPW,), jnp.float32),
            pltpu.VMEM((_BPW, FEATURE_SIZE), jnp.float32),
            pltpu.SemaphoreType.DMA,
        ],
        compiler_params=pltpu.CompilerParams(needs_layout_passes=False),
    )(x0, x1, x2, table)


def kernel(indices, table):
    return _lookup(indices[:, 0], indices[:, 1], indices[:, 2], table)

# --- scband reference (transcript-rebuilt; emitter-appended) ---
"""Pipeline reference for scband-triton-learnable-lookup-table-81793357185277 (READ-ONLY COPY).

The authoritative reference and input builder live on the scoring server;
editing this copy changes nothing except your own understanding.
"""

import jax, jax.numpy as jnp
import numpy as np

INPUT_DIM = 3
INDEX_WIDTH = 100
FEATURE_SIZE = 64
BATCH = 16384

def setup_inputs(seed: int = 0) -> dict:
    key = jax.random.key(seed)
    k1, k2 = jax.random.split(key)
    indices = jax.random.uniform(k1, (BATCH, INPUT_DIM), dtype=jnp.float32)
    table = jax.random.normal(k2, (INDEX_WIDTH ** INPUT_DIM, FEATURE_SIZE), dtype=jnp.float32)
    return {"indices": indices, "table": table}

def reference(indices, table):
    # forward: scaled_indices = (indices * dims).long(); dims = (index_width,)*input_dim
    dims = jnp.full((INPUT_DIM,), INDEX_WIDTH, dtype=jnp.float32)
    scaled = (indices * dims).astype(jnp.int32)  # truncation toward zero, matches .long() for non-negative
    # linear_idx = sum_d scaled[:, d] * index_width**d
    multipliers = (INDEX_WIDTH ** jnp.arange(INPUT_DIM, dtype=jnp.int32)).astype(jnp.int32)
    linear_idx = jnp.sum(scaled * multipliers[None, :], axis=1)
    # gather table rows
    output = jnp.take(table, linear_idx, axis=0)
    return output

if __name__ == "__main__":
    import jax
    _d = setup_inputs()
    print(jax.jit(kernel)(*tuple(_d.values())))

</pallas_src>

<mosaic_0001>
#map = affine_map<(d0, d1) -> (0)>
#map1 = affine_map<(d0, d1) -> (0, 0)>
module attributes {stable_mosaic.version = 14 : i64} {
  func.func @_lookup_body(%arg0: i32, %arg1: i32, %arg2: memref<16384xf32, #tpu.memory_space<hbm>>, %arg3: memref<16384xf32, #tpu.memory_space<hbm>>, %arg4: memref<16384xf32, #tpu.memory_space<hbm>>, %arg5: memref<1000000x64xf32, #tpu.memory_space<hbm>>, %arg6: memref<16384x64xf32, #tpu.memory_space<hbm>>, %arg7: memref<512xf32, #tpu.memory_space<vmem>>, %arg8: memref<512xf32, #tpu.memory_space<vmem>>, %arg9: memref<512xf32, #tpu.memory_space<vmem>>, %arg10: memref<512x64xf32, #tpu.memory_space<vmem>>, %arg11: memref<!tpu.dma_semaphore, #tpu.memory_space<semaphore_mem>>) attributes {dimension_semantics = [#tpu.dimension_semantics<core_parallel>, #tpu.dimension_semantics<subcore_parallel>], iteration_bounds = array<i64: 2, 16>, scalar_prefetch = 0 : i64, scratch_operands = 5 : i64, tpu.core_type = #tpu.core_type<sc_vector_subcore>, window_params = [{transform_indices = #map}, {transform_indices = #map}, {transform_indices = #map}, {transform_indices = #map1}, {transform_indices = #map1}]} {
    %mul3A = arith.constant 2 : i32
    %mul3A_0 = arith.muli %arg1, %mul3A : i32
    %add3A = arith.addi %mul3A_0, %arg0 : i32
    %mul3A_1 = arith.constant 512 : i32
    %mul3A_2 = arith.muli %add3A, %mul3A_1 : i32
    "tpu.region"() ({
      %run_scoped3A = tpu.sem_alloc : memref<!tpu.dma_semaphore, #tpu.memory_space<semaphore_mem>>
      %dma_start3A = tpu.memref_slice %arg2[%mul3A_2] : memref<16384xf32, #tpu.memory_space<hbm>> -> memref<512xf32, #tpu.memory_space<hbm>>
      %dma_start3A_15 = tpu.memref_slice %arg2[%mul3A_2] : memref<16384xf32, #tpu.memory_space<hbm>> -> memref<512xf32, #tpu.memory_space<hbm>>
      tpu.enqueue_dma source(%dma_start3A_15 : memref<512xf32, #tpu.memory_space<hbm>>) target(%arg7 : memref<512xf32, #tpu.memory_space<vmem>>) target_semaphore(%run_scoped3A : memref<!tpu.dma_semaphore, #tpu.memory_space<semaphore_mem>>)
      %dma_wait3A_16 = tpu.memref_slice %arg2[%mul3A_2] : memref<16384xf32, #tpu.memory_space<hbm>> -> memref<512xf32, #tpu.memory_space<hbm>>
      %dma_wait3A_17 = tpu.memref_slice %arg2[%mul3A_2] : memref<16384xf32, #tpu.memory_space<hbm>> -> memref<512xf32, #tpu.memory_space<hbm>>
      tpu.wait_dma2 semaphore(%run_scoped3A : memref<!tpu.dma_semaphore, #tpu.memory_space<semaphore_mem>>) src(%dma_wait3A_17 : memref<512xf32, #tpu.memory_space<hbm>>) dst(%arg7 : memref<512xf32, #tpu.memory_space<vmem>>)
      tpu.yield
    }) : () -> ()
    "tpu.region"() ({
      %run_scoped3A = tpu.sem_alloc : memref<!tpu.dma_semaphore, #tpu.memory_space<semaphore_mem>>
      %dma_start3A = tpu.memref_slice %arg3[%mul3A_2] : memref<16384xf32, #tpu.memory_space<hbm>> -> memref<512xf32, #tpu.memory_space<hbm>>
      %dma_start3A_15 = tpu.memref_slice %arg3[%mul3A_2] : memref<16384xf32, #tpu.memory_space<hbm>> -> memref<512xf32, #tpu.memory_space<hbm>>
      tpu.enqueue_dma source(%dma_start3A_15 : memref<512xf32, #tpu.memory_space<hbm>>) target(%arg8 : memref<512xf32, #tpu.memory_space<vmem>>) target_semaphore(%run_scoped3A : memref<!tpu.dma_semaphore, #tpu.memory_space<semaphore_mem>>)
      %dma_wait3A_16 = tpu.memref_slice %arg3[%mul3A_2] : memref<16384xf32, #tpu.memory_space<hbm>> -> memref<512xf32, #tpu.memory_space<hbm>>
      %dma_wait3A_17 = tpu.memref_slice %arg3[%mul3A_2] : memref<16384xf32, #tpu.memory_space<hbm>> -> memref<512xf32, #tpu.memory_space<hbm>>
      tpu.wait_dma2 semaphore(%run_scoped3A : memref<!tpu.dma_semaphore, #tpu.memory_space<semaphore_mem>>) src(%dma_wait3A_17 : memref<512xf32, #tpu.memory_space<hbm>>) dst(%arg8 : memref<512xf32, #tpu.memory_space<vmem>>)
      tpu.yield
    }) : () -> ()
    "tpu.region"() ({
      %run_scoped3A = tpu.sem_alloc : memref<!tpu.dma_semaphore, #tpu.memory_space<semaphore_mem>>
      %dma_start3A = tpu.memref_slice %arg4[%mul3A_2] : memref<16384xf32, #tpu.memory_space<hbm>> -> memref<512xf32, #tpu.memory_space<hbm>>
      %dma_start3A_15 = tpu.memref_slice %arg4[%mul3A_2] : memref<16384xf32, #tpu.memory_space<hbm>> -> memref<512xf32, #tpu.memory_space<hbm>>
      tpu.enqueue_dma source(%dma_start3A_15 : memref<512xf32, #tpu.memory_space<hbm>>) target(%arg9 : memref<512xf32, #tpu.memory_space<vmem>>) target_semaphore(%run_scoped3A : memref<!tpu.dma_semaphore, #tpu.memory_space<semaphore_mem>>)
      %dma_wait3A_16 = tpu.memref_slice %arg4[%mul3A_2] : memref<16384xf32, #tpu.memory_space<hbm>> -> memref<512xf32, #tpu.memory_space<hbm>>
      %dma_wait3A_17 = tpu.memref_slice %arg4[%mul3A_2] : memref<16384xf32, #tpu.memory_space<hbm>> -> memref<512xf32, #tpu.memory_space<hbm>>
      tpu.wait_dma2 semaphore(%run_scoped3A : memref<!tpu.dma_semaphore, #tpu.memory_space<semaphore_mem>>) src(%dma_wait3A_17 : memref<512xf32, #tpu.memory_space<hbm>>) dst(%arg9 : memref<512xf32, #tpu.memory_space<vmem>>)
      tpu.yield
    }) : () -> ()
    %iota3A = tpu.iota {dimensions = array<i32: 0>} : vector<16xi32>
    %broadcast_in_dim3A = arith.constant 0 : i32
    %broadcast_in_dim3A_3 = vector.broadcast %broadcast_in_dim3A : i32 to vector<16xi32>
    %scan3A = arith.constant 0 : i32
    %scan3A_4 = arith.constant 1.000000e+02 : f32
    %scan3A_5 = arith.constant 0 : i32
    %scan3A_6 = arith.constant 32 : i32
    %scan3A_7 = arith.addi %scan3A_5, %scan3A_6 : i32
    %scan3A_8 = arith.constant 1 : i32
    scf.for %scan3A_15 = %scan3A_5 to %scan3A_7 step %scan3A_8  : i32 {
      %mul3A_16 = arith.constant 16 : i32
      %mul3A_17 = arith.muli %scan3A_15, %mul3A_16 : i32
      %get3A = arith.index_cast %mul3A_17 : i32 to index
      %get3A_18 = tpu.vector_load %arg7[%get3A] {strides = array<i32>} : memref<512xf32, #tpu.memory_space<vmem>>, vector<16xf32>,
      %mul3A_19 = vector.broadcast %scan3A_4 : f32 to vector<16xf32>
      %mul3A_20 = arith.mulf %get3A_18, %mul3A_19 : vector<16xf32>
      %convert_element_type3A = arith.fptosi %mul3A_20 : vector<16xf32> to vector<16xi32>
      %get3A_21 = arith.index_cast %mul3A_17 : i32 to index
      %get3A_22 = tpu.vector_load %arg8[%get3A_21] {strides = array<i32>} : memref<512xf32, #tpu.memory_space<vmem>>, vector<16xf32>,
      %mul3A_23 = vector.broadcast %scan3A_4 : f32 to vector<16xf32>
      %mul3A_24 = arith.mulf %get3A_22, %mul3A_23 : vector<16xf32>
      %convert_element_type3A_25 = arith.fptosi %mul3A_24 : vector<16xf32> to vector<16xi32>
      %mul3A_26 = arith.constant 100 : i32
      %mul3A_27 = vector.broadcast %mul3A_26 : i32 to vector<16xi32>
      %mul3A_28 = arith.muli %convert_element_type3A_25, %mul3A_27 : vector<16xi32>
      %add3A_29 = arith.addi %convert_element_type3A, %mul3A_28 : vector<16xi32>
      %get3A_30 = arith.index_cast %mul3A_17 : i32 to index
      %get3A_31 = tpu.vector_load %arg9[%get3A_30] {strides = array<i32>} : memref<512xf32, #tpu.memory_space<vmem>>, vector<16xf32>,
      %mul3A_32 = vector.broadcast %scan3A_4 : f32 to vector<16xf32>
      %mul3A_33 = arith.mulf %get3A_31, %mul3A_32 : vector<16xf32>
      %convert_element_type3A_34 = arith.fptosi %mul3A_33 : vector<16xf32> to vector<16xi32>
      %mul3A_35 = arith.constant 10000 : i32
      %mul3A_36 = vector.broadcast %mul3A_35 : i32 to vector<16xi32>
      %mul3A_37 = arith.muli %convert_element_type3A_34, %mul3A_36 : vector<16xi32>
      %add3A_38 = arith.addi %add3A_29, %mul3A_37 : vector<16xi32>
      %eq3A = arith.constant 0 : i32
      %eq3A_39 = vector.broadcast %eq3A : i32 to vector<16xi32>
      %eq3A_40 = arith.cmpi eq, %iota3A, %eq3A_39 : vector<16xi32>
      %select_n3A = arith.select %eq3A_40, %add3A_38, %broadcast_in_dim3A_3 : vector<16xi1>, vector<16xi32>
      %reduce_sum3A = arith.constant true
      %reduce_sum3A_41 = vector.broadcast %reduce_sum3A : i1 to vector<16xi1>
      %reduce_sum3A_42 = tpu.scan <sum>, %select_n3A masked %reduce_sum3A_41 : vector<16xi32>, vector<16xi1> -> vector<16xi32>
      %reduce_sum3A_43 = vector.extract %reduce_sum3A_42[15] : i32 from vector<16xi32>
      %mul3A_44 = arith.constant 16 : i32
      %mul3A_45 = arith.muli %scan3A_15, %mul3A_44 : i32
      %add3A_46 = arith.constant 0 : i32
      %add3A_47 = arith.addi %mul3A_45, %add3A_46 : i32
      %dma_start3A = arith.constant 0 : i32
      %dma_start3A_48 = tpu.memref_slice %arg10[%add3A_47, %dma_start3A] : memref<512x64xf32, #tpu.memory_space<vmem>> -> memref<1x64xf32, #tpu.memory_space<vmem>>
      %dma_start3A_49 = arith.constant 0 : i32
      %dma_start3A_50 = tpu.memref_slice %arg5[%reduce_sum3A_43, %dma_start3A_49] : memref<1000000x64xf32, #tpu.memory_space<hbm>> -> memref<1x64xf32, #tpu.memory_space<hbm>>
      %dma_start3A_51 = arith.constant 0 : i32
      %dma_start3A_52 = tpu.memref_slice %arg10[%add3A_47, %dma_start3A_51] : memref<512x64xf32, #tpu.memory_space<vmem>> -> memref<1x64xf32, #tpu.memory_space<vmem>>
      %dma_start3A_53 = arith.constant 0 : i32
      %dma_start3A_54 = tpu.memref_slice %arg5[%reduce_sum3A_43, %dma_start3A_53] : memref<1000000x64xf32, #tpu.memory_space<hbm>> -> memref<1x64xf32, #tpu.memory_space<hbm>>
      tpu.enqueue_dma source(%dma_start3A_54 : memref<1x64xf32, #tpu.memory_space<hbm>>) target(%dma_start3A_52 : memref<1x64xf32, #tpu.memory_space<vmem>>) target_semaphore(%arg11 : memref<!tpu.dma_semaphore, #tpu.memory_space<semaphore_mem>>)
      %eq3A_55 = arith.constant 1 : i32
      %eq3A_56 = vector.broadcast %eq3A_55 : i32 to vector<16xi32>
      %eq3A_57 = arith.cmpi eq, %iota3A, %eq3A_56 : vector<16xi32>
      %select_n3A_58 = arith.select %eq3A_57, %add3A_38, %broadcast_in_dim3A_3 : vector<16xi1>, vector<16xi32>
      %reduce_sum3A_59 = arith.constant true
      %reduce_sum3A_60 = vector.broadcast %reduce_sum3A_59 : i1 to vector<16xi1>
      %reduce_sum3A_61 = tpu.scan <sum>, %select_n3A_58 masked %reduce_sum3A_60 : vector<16xi32>, vector<16xi1> -> vector<16xi32>
      %reduce_sum3A_62 = vector.extract %reduce_sum3A_61[15] : i32 from vector<16xi32>
      %mul3A_63 = arith.constant 16 : i32
      %mul3A_64 = arith.muli %scan3A_15, %mul3A_63 : i32
      %add3A_65 = arith.constant 1 : i32
      %add3A_66 = arith.addi %mul3A_64, %add3A_65 : i32
      %dma_start3A_67 = arith.constant 0 : i32
      %dma_start3A_68 = tpu.memref_slice %arg10[%add3A_66, %dma_start3A_67] : memref<512x64xf32, #tpu.memory_space<vmem>> -> memref<1x64xf32, #tpu.memory_space<vmem>>
      %dma_start3A_69 = arith.constant 0 : i32
      %dma_start3A_70 = tpu.memref_slice %arg5[%reduce_sum3A_62, %dma_start3A_69] : memref<1000000x64xf32, #tpu.memory_space<hbm>> -> memref<1x64xf32, #tpu.memory_space<hbm>>
      %dma_start3A_71 = arith.constant 0 : i32
      %dma_start3A_72 = tpu.memref_slice %arg10[%add3A_66, %dma_start3A_71] : memref<512x64xf32, #tpu.memory_space<vmem>> -> memref<1x64xf32, #tpu.memory_space<vmem>>
      %dma_start3A_73 = arith.constant 0 : i32
      %dma_start3A_74 = tpu.memref_slice %arg5[%reduce_sum3A_62, %dma_start3A_73] : memref<1000000x64xf32, #tpu.memory_space<hbm>> -> memref<1x64xf32, #tpu.memory_space<hbm>>
      tpu.enqueue_dma source(%dma_start3A_74 : memref<1x64xf32, #tpu.memory_space<hbm>>) target(%dma_start3A_72 : memref<1x64xf32, #tpu.memory_space<vmem>>) target_semaphore(%arg11 : memref<!tpu.dma_semaphore, #tpu.memory_space<semaphore_mem>>)
      %eq3A_75 = arith.constant 2 : i32
      %eq3A_76 = vector.broadcast %eq3A_75 : i32 to vector<16xi32>
      %eq3A_77 = arith.cmpi eq, %iota3A, %eq3A_76 : vector<16xi32>
      %select_n3A_78 = arith.select %eq3A_77, %add3A_38, %broadcast_in_dim3A_3 : vector<16xi1>, vector<16xi32>
      %reduce_sum3A_79 = arith.constant true
      %reduce_sum3A_80 = vector.broadcast %reduce_sum3A_79 : i1 to vector<16xi1>
      %reduce_sum3A_81 = tpu.scan <sum>, %select_n3A_78 masked %reduce_sum3A_80 : vector<16xi32>, vector<16xi1> -> vector<16xi32>
      %reduce_sum3A_82 = vector.extract %reduce_sum3A_81[15] : i32 from vector<16xi32>
      %mul3A_83 = arith.constant 16 : i32
      %mul3A_84 = arith.muli %scan3A_15, %mul3A_83 : i32
      %add3A_85 = arith.constant 2 : i32
      %add3A_86 = arith.addi %mul3A_84, %add3A_85 : i32
      %dma_start3A_87 = arith.constant 0 : i32
      %dma_start3A_88 = tpu.memref_slice %arg10[%add3A_86, %dma_start3A_87] : memref<512x64xf32, #tpu.memory_space<vmem>> -> memref<1x64xf32, #tpu.memory_space<vmem>>
      %dma_start3A_89 = arith.constant 0 : i32
      %dma_start3A_90 = tpu.memref_slice %arg5[%reduce_sum3A_82, %dma_start3A_89] : memref<1000000x64xf32, #tpu.memory_space<hbm>> -> memref<1x64xf32, #tpu.memory_space<hbm>>
      %dma_start3A_91 = arith.constant 0 : i32
      %dma_start3A_92 = tpu.memref_slice %arg10[%add3A_86, %dma_start3A_91] : memref<512x64xf32, #tpu.memory_space<vmem>> -> memref<1x64xf32, #tpu.memory_space<vmem>>
      %dma_start3A_93 = arith.constant 0 : i32
      %dma_start3A_94 = tpu.memref_slice %arg5[%reduce_sum3A_82, %dma_start3A_93] : memref<1000000x64xf32, #tpu.memory_space<hbm>> -> memref<1x64xf32, #tpu.memory_space<hbm>>
      tpu.enqueue_dma source(%dma_start3A_94 : memref<1x64xf32, #tpu.memory_space<hbm>>) target(%dma_start3A_92 : memref<1x64xf32, #tpu.memory_space<vmem>>) target_semaphore(%arg11 : memref<!tpu.dma_semaphore, #tpu.memory_space<semaphore_mem>>)
      %eq3A_95 = arith.constant 3 : i32
      %eq3A_96 = vector.broadcast %eq3A_95 : i32 to vector<16xi32>
      %eq3A_97 = arith.cmpi eq, %iota3A, %eq3A_96 : vector<16xi32>
      %select_n3A_98 = arith.select %eq3A_97, %add3A_38, %broadcast_in_dim3A_3 : vector<16xi1>, vector<16xi32>
      %reduce_sum3A_99 = arith.constant true
      %reduce_sum3A_100 = vector.broadcast %reduce_sum3A_99 : i1 to vector<16xi1>
      %reduce_sum3A_101 = tpu.scan <sum>, %select_n3A_98 masked %reduce_sum3A_100 : vector<16xi32>, vector<16xi1> -> vector<16xi32>
      %reduce_sum3A_102 = vector.extract %reduce_sum3A_101[15] : i32 from vector<16xi32>
      %mul3A_103 = arith.constant 16 : i32
      %mul3A_104 = arith.muli %scan3A_15, %mul3A_103 : i32
      %add3A_105 = arith.constant 3 : i32
      %add3A_106 = arith.addi %mul3A_104, %add3A_105 : i32
      %dma_start3A_107 = arith.constant 0 : i32
      %dma_start3A_108 = tpu.memref_slice %arg10[%add3A_106, %dma_start3A_107] : memref<512x64xf32, #tpu.memory_space<vmem>> -> memref<1x64xf32, #tpu.memory_space<vmem>>
      %dma_start3A_109 = arith.constant 0 : i32
      %dma_start3A_110 = tpu.memref_slice %arg5[%reduce_sum3A_102, %dma_start3A_109] : memref<1000000x64xf32, #tpu.memory_space<hbm>> -> memref<1x64xf32, #tpu.memory_space<hbm>>
      %dma_start3A_111 = arith.constant 0 : i32
      %dma_start3A_112 = tpu.memref_slice %arg10[%add3A_106, %dma_start3A_111] : memref<512x64xf32, #tpu.memory_space<vmem>> -> memref<1x64xf32, #tpu.memory_space<vmem>>
      %dma_start3A_113 = arith.constant 0 : i32
      %dma_start3A_114 = tpu.memref_slice %arg5[%reduce_sum3A_102, %dma_start3A_113] : memref<1000000x64xf32, #tpu.memory_space<hbm>> -> memref<1x64xf32, #tpu.memory_space<hbm>>
      tpu.enqueue_dma source(%dma_start3A_114 : memref<1x64xf32, #tpu.memory_space<hbm>>) target(%dma_start3A_112 : memref<1x64xf32, #tpu.memory_space<vmem>>) target_semaphore(%arg11 : memref<!tpu.dma_semaphore, #tpu.memory_space<semaphore_mem>>)
      %eq3A_115 = arith.constant 4 : i32
      %eq3A_116 = vector.broadcast %eq3A_115 : i32 to vector<16xi32>
      %eq3A_117 = arith.cmpi eq, %iota3A, %eq3A_116 : vector<16xi32>
      %select_n3A_118 = arith.select %eq3A_117, %add3A_38, %broadcast_in_dim3A_3 : vector<16xi1>, vector<16xi32>
      %reduce_sum3A_119 = arith.constant true
      %reduce_sum3A_120 = vector.broadcast %reduce_sum3A_119 : i1 to vector<16xi1>
      %reduce_sum3A_121 = tpu.scan <sum>, %select_n3A_118 masked %reduce_sum3A_120 : vector<16xi32>, vector<16xi1> -> vector<16xi32>
      %reduce_sum3A_122 = vector.extract %reduce_sum3A_121[15] : i32 from vector<16xi32>
      %mul3A_123 = arith.constant 16 : i32
      %mul3A_124 = arith.muli %scan3A_15, %mul3A_123 : i32
      %add3A_125 = arith.constant 4 : i32
      %add3A_126 = arith.addi %mul3A_124, %add3A_125 : i32
      %dma_start3A_127 = arith.constant 0 : i32
      %dma_start3A_128 = tpu.memref_slice %arg10[%add3A_126, %dma_start3A_127] : memref<512x64xf32, #tpu.memory_space<vmem>> -> memref<1x64xf32, #tpu.memory_space<vmem>>
      %dma_start3A_129 = arith.constant 0 : i32
      %dma_start3A_130 = tpu.memref_slice %arg5[%reduce_sum3A_122, %dma_start3A_129] : memref<1000000x64xf32, #tpu.memory_space<hbm>> -> memref<1x64xf32, #tpu.memory_space<hbm>>
      %dma_start3A_131 = arith.constant 0 : i32
      %dma_start3A_132 = tpu.memref_slice %arg10[%add3A_126, %dma_start3A_131] : memref<512x64xf32, #tpu.memory_space<vmem>> -> memref<1x64xf32, #tpu.memory_space<vmem>>
      %dma_start3A_133 = arith.constant 0 : i32
      %dma_start3A_134 = tpu.memref_slice %arg5[%reduce_sum3A_122, %dma_start3A_133] : memref<1000000x64xf32, #tpu.memory_space<hbm>> -> memref<1x64xf32, #tpu.memory_space<hbm>>
      tpu.enqueue_dma source(%dma_start3A_134 : memref<1x64xf32, #tpu.memory_space<hbm>>) target(%dma_start3A_132 : memref<1x64xf32, #tpu.memory_space<vmem>>) target_semaphore(%arg11 : memref<!tpu.dma_semaphore, #tpu.memory_space<semaphore_mem>>)
      %eq3A_135 = arith.constant 5 : i32
      %eq3A_136 = vector.broadcast %eq3A_135 : i32 to vector<16xi32>
      %eq3A_137 = arith.cmpi eq, %iota3A, %eq3A_136 : vector<16xi32>
      %select_n3A_138 = arith.select %eq3A_137, %add3A_38, %broadcast_in_dim3A_3 : vector<16xi1>, vector<16xi32>
      %reduce_sum3A_139 = arith.constant true
      %reduce_sum3A_140 = vector.broadcast %reduce_sum3A_139 : i1 to vector<16xi1>
      %reduce_sum3A_141 = tpu.scan <sum>, %select_n3A_138 masked %reduce_sum3A_140 : vector<16xi32>, vector<16xi1> -> vector<16xi32>
      %reduce_sum3A_142 = vector.extract %reduce_sum3A_141[15] : i32 from vector<16xi32>
      %mul3A_143 = arith.constant 16 : i32
      %mul3A_144 = arith.muli %scan3A_15, %mul3A_143 : i32
      %add3A_145 = arith.constant 5 : i32
      %add3A_146 = arith.addi %mul3A_144, %add3A_145 : i32
      %dma_start3A_147 = arith.constant 0 : i32
      %dma_start3A_148 = tpu.memref_slice %arg10[%add3A_146, %dma_start3A_147] : memref<512x64xf32, #tpu.memory_space<vmem>> -> memref<1x64xf32, #tpu.memory_space<vmem>>
      %dma_start3A_149 = arith.constant 0 : i32
      %dma_start3A_150 = tpu.memref_slice %arg5[%reduce_sum3A_142, %dma_start3A_149] : memref<1000000x64xf32, #tpu.memory_space<hbm>> -> memref<1x64xf32, #tpu.memory_space<hbm>>
      %dma_start3A_151 = arith.constant 0 : i32
      %dma_start3A_152 = tpu.memref_slice %arg10[%add3A_146, %dma_start3A_151] : memref<512x64xf32, #tpu.memory_space<vmem>> -> memref<1x64xf32, #tpu.memory_space<vmem>>
      %dma_start3A_153 = arith.constant 0 : i32
      %dma_start3A_154 = tpu.memref_slice %arg5[%reduce_sum3A_142, %dma_start3A_153] : memref<1000000x64xf32, #tpu.memory_space<hbm>> -> memref<1x64xf32, #tpu.memory_space<hbm>>
      tpu.enqueue_dma source(%dma_start3A_154 : memref<1x64xf32, #tpu.memory_space<hbm>>) target(%dma_start3A_152 : memref<1x64xf32, #tpu.memory_space<vmem>>) target_semaphore(%arg11 : memref<!tpu.dma_semaphore, #tpu.memory_space<semaphore_mem>>)
      %eq3A_155 = arith.constant 6 : i32
      %eq3A_156 = vector.broadcast %eq3A_155 : i32 to vector<16xi32>
      %eq3A_157 = arith.cmpi eq, %iota3A, %eq3A_156 : vector<16xi32>
      %select_n3A_158 = arith.select %eq3A_157, %add3A_38, %broadcast_in_dim3A_3 : vector<16xi1>, vector<16xi32>
      %reduce_sum3A_159 = arith.constant true
      %reduce_sum3A_160 = vector.broadcast %reduce_sum3A_159 : i1 to vector<16xi1>
      %reduce_sum3A_161 = tpu.scan <sum>, %select_n3A_158 masked %reduce_sum3A_160 : vector<16xi32>, vector<16xi1> -> vector<16xi32>
      %reduce_sum3A_162 = vector.extract %reduce_sum3A_161[15] : i32 from vector<16xi32>
      %mul3A_163 = arith.constant 16 : i32
      %mul3A_164 = arith.muli %scan3A_15, %mul3A_163 : i32
      %add3A_165 = arith.constant 6 : i32
      %add3A_166 = arith.addi %mul3A_164, %add3A_165 : i32
      %dma_start3A_167 = arith.constant 0 : i32
      %dma_start3A_168 = tpu.memref_slice %arg10[%add3A_166, %dma_start3A_167] : memref<512x64xf32, #tpu.memory_space<vmem>> -> memref<1x64xf32, #tpu.memory_space<vmem>>
      %dma_start3A_169 = arith.constant 0 : i32
      %dma_start3A_170 = tpu.memref_slice %arg5[%reduce_sum3A_162, %dma_start3A_169] : memref<1000000x64xf32, #tpu.memory_space<hbm>> -> memref<1x64xf32, #tpu.memory_space<hbm>>
      %dma_start3A_171 = arith.constant 0 : i32
      %dma_start3A_172 = tpu.memref_slice %arg10[%add3A_166, %dma_start3A_171] : memref<512x64xf32, #tpu.memory_space<vmem>> -> memref<1x64xf32, #tpu.memory_space<vmem>>
      %dma_start3A_173 = arith.constant 0 : i32
      %dma_start3A_174 = tpu.memref_slice %arg5[%reduce_sum3A_162, %dma_start3A_173] : memref<1000000x64xf32, #tpu.memory_space<hbm>> -> memref<1x64xf32, #tpu.memory_space<hbm>>
      tpu.enqueue_dma source(%dma_start3A_174 : memref<1x64xf32, #tpu.memory_space<hbm>>) target(%dma_start3A_172 : memref<1x64xf32, #tpu.memory_space<vmem>>) target_semaphore(%arg11 : memref<!tpu.dma_semaphore, #tpu.memory_space<semaphore_mem>>)
      %eq3A_175 = arith.constant 7 : i32
      %eq3A_176 = vector.broadcast %eq3A_175 : i32 to vector<16xi32>
      %eq3A_177 = arith.cmpi eq, %iota3A, %eq3A_176 : vector<16xi32>
      %select_n3A_178 = arith.select %eq3A_177, %add3A_38, %broadcast_in_dim3A_3 : vector<16xi1>, vector<16xi32>
      %reduce_sum3A_179 = arith.constant true
      %reduce_sum3A_180 = vector.broadcast %reduce_sum3A_179 : i1 to vector<16xi1>
      %reduce_sum3A_181 = tpu.scan <sum>, %select_n3A_178 masked %reduce_sum3A_180 : vector<16xi32>, vector<16xi1> -> vector<16xi32>
      %reduce_sum3A_182 = vector.extract %reduce_sum3A_181[15] : i32 from vector<16xi32>
      %mul3A_183 = arith.constant 16 : i32
      %mul3A_184 = arith.muli %scan3A_15, %mul3A_183 : i32
      %add3A_185 = arith.constant 7 : i32
      %add3A_186 = arith.addi %mul3A_184, %add3A_185 : i32
      %dma_start3A_187 = arith.constant 0 : i32
      %dma_start3A_188 = tpu.memref_slice %arg10[%add3A_186, %dma_start3A_187] : memref<512x64xf32, #tpu.memory_space<vmem>> -> memref<1x64xf32, #tpu.memory_space<vmem>>
      %dma_start3A_189 = arith.constant 0 : i32
      %dma_start3A_190 = tpu.memref_slice %arg5[%reduce_sum3A_182, %dma_start3A_189] : memref<1000000x64xf32, #tpu.memory_space<hbm>> -> memref<1x64xf32, #tpu.memory_space<hbm>>
      %dma_start3A_191 = arith.constant 0 : i32
      %dma_start3A_192 = tpu.memref_slice %arg10[%add3A_186, %dma_start3A_191] : memref<512x64xf32, #tpu.memory_space<vmem>> -> memref<1x64xf32, #tpu.memory_space<vmem>>
      %dma_start3A_193 = arith.constant 0 : i32
      %dma_start3A_194 = tpu.memref_slice %arg5[%reduce_sum3A_182, %dma_start3A_193] : memref<1000000x64xf32, #tpu.memory_space<hbm>> -> memref<1x64xf32, #tpu.memory_space<hbm>>
      tpu.enqueue_dma source(%dma_start3A_194 : memref<1x64xf32, #tpu.memory_space<hbm>>) target(%dma_start3A_192 : memref<1x64xf32, #tpu.memory_space<vmem>>) target_semaphore(%arg11 : memref<!tpu.dma_semaphore, #tpu.memory_space<semaphore_mem>>)
      %eq3A_195 = arith.constant 8 : i32
      %eq3A_196 = vector.broadcast %eq3A_195 : i32 to vector<16xi32>
      %eq3A_197 = arith.cmpi eq, %iota3A, %eq3A_196 : vector<16xi32>
      %select_n3A_198 = arith.select %eq3A_197, %add3A_38, %broadcast_in_dim3A_3 : vector<16xi1>, vector<16xi32>
      %reduce_sum3A_199 = arith.constant true
      %reduce_sum3A_200 = vector.broadcast %reduce_sum3A_199 : i1 to vector<16xi1>
      %reduce_sum3A_201 = tpu.scan <sum>, %select_n3A_198 masked %reduce_sum3A_200 : vector<16xi32>, vector<16xi1> -> vector<16xi32>
      %reduce_sum3A_202 = vector.extract %reduce_sum3A_201[15] : i32 from vector<16xi32>
      %mul3A_203 = arith.constant 16 : i32
      %mul3A_204 = arith.muli %scan3A_15, %mul3A_203 : i32
      %add3A_205 = arith.constant 8 : i32
      %add3A_206 = arith.addi %mul3A_204, %add3A_205 : i32
      %dma_start3A_207 = arith.constant 0 : i32
      %dma_start3A_208 = tpu.memref_slice %arg10[%add3A_206, %dma_start3A_207] : memref<512x64xf32, #tpu.memory_space<vmem>> -> memref<1x64xf32, #tpu.memory_space<vmem>>
      %dma_start3A_209 = arith.constant 0 : i32
      %dma_start3A_210 = tpu.memref_slice %arg5[%reduce_sum3A_202, %dma_start3A_209] : memref<1000000x64xf32, #tpu.memory_space<hbm>> -> memref<1x64xf32, #tpu.memory_space<hbm>>
      %dma_start3A_211 = arith.constant 0 : i32
      %dma_start3A_212 = tpu.memref_slice %arg10[%add3A_206, %dma_start3A_211] : memref<512x64xf32, #tpu.memory_space<vmem>> -> memref<1x64xf32, #tpu.memory_space<vmem>>
      %dma_start3A_213 = arith.constant 0 : i32
      %dma_start3A_214 = tpu.memref_slice %arg5[%reduce_sum3A_202, %dma_start3A_213] : memref<1000000x64xf32, #tpu.memory_space<hbm>> -> memref<1x64xf32, #tpu.memory_space<hbm>>
      tpu.enqueue_dma source(%dma_start3A_214 : memref<1x64xf32, #tpu.memory_space<hbm>>) target(%dma_start3A_212 : memref<1x64xf32, #tpu.memory_space<vmem>>) target_semaphore(%arg11 : memref<!tpu.dma_semaphore, #tpu.memory_space<semaphore_mem>>)
      %eq3A_215 = arith.constant 9 : i32
      %eq3A_216 = vector.broadcast %eq3A_215 : i32 to vector<16xi32>
      %eq3A_217 = arith.cmpi eq, %iota3A, %eq3A_216 : vector<16xi32>
      %select_n3A_218 = arith.select %eq3A_217, %add3A_38, %broadcast_in_dim3A_3 : vector<16xi1>, vector<16xi32>
      %reduce_sum3A_219 = arith.constant true
      %reduce_sum3A_220 = vector.broadcast %reduce_sum3A_219 : i1 to vector<16xi1>
      %reduce_sum3A_221 = tpu.scan <sum>, %select_n3A_218 masked %reduce_sum3A_220 : vector<16xi32>, vector<16xi1> -> vector<16xi32>
      %reduce_sum3A_222 = vector.extract %reduce_sum3A_221[15] : i32 from vector<16xi32>
      %mul3A_223 = arith.constant 16 : i32
      %mul3A_224 = arith.muli %scan3A_15, %mul3A_223 : i32
      %add3A_225 = arith.constant 9 : i32
      %add3A_226 = arith.addi %mul3A_224, %add3A_225 : i32
      %dma_start3A_227 = arith.constant 0 : i32
      %dma_start3A_228 = tpu.memref_slice %arg10[%add3A_226, %dma_start3A_227] : memref<512x64xf32, #tpu.memory_space<vmem>> -> memref<1x64xf32, #tpu.memory_space<vmem>>
      %dma_start3A_229 = arith.constant 0 : i32
      %dma_start3A_230 = tpu.memref_slice %arg5[%reduce_sum3A_222, %dma_start3A_229] : memref<1000000x64xf32, #tpu.memory_space<hbm>> -> memref<1x64xf32, #tpu.memory_space<hbm>>
      %dma_start3A_231 = arith.constant 0 : i32
      %dma_start3A_232 = tpu.memref_slice %arg10[%add3A_226, %dma_start3A_231] : memref<512x64xf32, #tpu.memory_space<vmem>> -> memref<1x64xf32, #tpu.memory_space<vmem>>
      %dma_start3A_233 = arith.constant 0 : i32
      %dma_start3A_234 = tpu.memref_slice %arg5[%reduce_sum3A_222, %dma_start3A_233] : memref<1000000x64xf32, #tpu.memory_space<hbm>> -> memref<1x64xf32, #tpu.memory_space<hbm>>
      tpu.enqueue_dma source(%dma_start3A_234 : memref<1x64xf32, #tpu.memory_space<hbm>>) target(%dma_start3A_232 : memref<1x64xf32, #tpu.memory_space<vmem>>) target_semaphore(%arg11 : memref<!tpu.dma_semaphore, #tpu.memory_space<semaphore_mem>>)
      %eq3A_235 = arith.constant 10 : i32
      %eq3A_236 = vector.broadcast %eq3A_235 : i32 to vector<16xi32>
      %eq3A_237 = arith.cmpi eq, %iota3A, %eq3A_236 : vector<16xi32>
      %select_n3A_238 = arith.select %eq3A_237, %add3A_38, %broadcast_in_dim3A_3 : vector<16xi1>, vector<16xi32>
      %reduce_sum3A_239 = arith.constant true
      %reduce_sum3A_240 = vector.broadcast %reduce_sum3A_239 : i1 to vector<16xi1>
      %reduce_sum3A_241 = tpu.scan <sum>, %select_n3A_238 masked %reduce_sum3A_240 : vector<16xi32>, vector<16xi1> -> vector<16xi32>
      %reduce_sum3A_242 = vector.extract %reduce_sum3A_241[15] : i32 from vector<16xi32>
      %mul3A_243 = arith.constant 16 : i32
      %mul3A_244 = arith.muli %scan3A_15, %mul3A_243 : i32
      %add3A_245 = arith.constant 10 : i32
      %add3A_246 = arith.addi %mul3A_244, %add3A_245 : i32
      %dma_start3A_247 = arith.constant 0 : i32
      %dma_start3A_248 = tpu.memref_slice %arg10[%add3A_246, %dma_start3A_247] : memref<512x64xf32, #tpu.memory_space<vmem>> -> memref<1x64xf32, #tpu.memory_space<vmem>>
      %dma_start3A_249 = arith.constant 0 : i32
      %dma_start3A_250 = tpu.memref_slice %arg5[%reduce_sum3A_242, %dma_start3A_249] : memref<1000000x64xf32, #tpu.memory_space<hbm>> -> memref<1x64xf32, #tpu.memory_space<hbm>>
      %dma_start3A_251 = arith.constant 0 : i32
      %dma_start3A_252 = tpu.memref_slice %arg10[%add3A_246, %dma_start3A_251] : memref<512x64xf32, #tpu.memory_space<vmem>> -> memref<1x64xf32, #tpu.memory_space<vmem>>
      %dma_start3A_253 = arith.constant 0 : i32
      %dma_start3A_254 = tpu.memref_slice %arg5[%reduce_sum3A_242, %dma_start3A_253] : memref<1000000x64xf32, #tpu.memory_space<hbm>> -> memref<1x64xf32, #tpu.memory_space<hbm>>
      tpu.enqueue_dma source(%dma_start3A_254 : memref<1x64xf32, #tpu.memory_space<hbm>>) target(%dma_start3A_252 : memref<1x64xf32, #tpu.memory_space<vmem>>) target_semaphore(%arg11 : memref<!tpu.dma_semaphore, #tpu.memory_space<semaphore_mem>>)
      %eq3A_255 = arith.constant 11 : i32
      %eq3A_256 = vector.broadcast %eq3A_255 : i32 to vector<16xi32>
      %eq3A_257 = arith.cmpi eq, %iota3A, %eq3A_256 : vector<16xi32>
      %select_n3A_258 = arith.select %eq3A_257, %add3A_38, %broadcast_in_dim3A_3 : vector<16xi1>, vector<16xi32>
      %reduce_sum3A_259 = arith.constant true
      %reduce_sum3A_260 = vector.broadcast %reduce_sum3A_259 : i1 to vector<16xi1>
      %reduce_sum3A_261 = tpu.scan <sum>, %select_n3A_258 masked %reduce_sum3A_260 : vector<16xi32>, vector<16xi1> -> vector<16xi32>
      %reduce_sum3A_262 = vector.extract %reduce_sum3A_261[15] : i32 from vector<16xi32>
      %mul3A_263 = arith.constant 16 : i32
      %mul3A_264 = arith.muli %scan3A_15, %mul3A_263 : i32
      %add3A_265 = arith.constant 11 : i32
      %add3A_266 = arith.addi %mul3A_264, %add3A_265 : i32
      %dma_start3A_267 = arith.constant 0 : i32
      %dma_start3A_268 = tpu.memref_slice %arg10[%add3A_266, %dma_start3A_267] : memref<512x64xf32, #tpu.memory_space<vmem>> -> memref<1x64xf32, #tpu.memory_space<vmem>>
      %dma_start3A_269 = arith.constant 0 : i32
      %dma_start3A_270 = tpu.memref_slice %arg5[%reduce_sum3A_262, %dma_start3A_269] : memref<1000000x64xf32, #tpu.memory_space<hbm>> -> memref<1x64xf32, #tpu.memory_space<hbm>>
      %dma_start3A_271 = arith.constant 0 : i32
      %dma_start3A_272 = tpu.memref_slice %arg10[%add3A_266, %dma_start3A_271] : memref<512x64xf32, #tpu.memory_space<vmem>> -> memref<1x64xf32, #tpu.memory_space<vmem>>
      %dma_start3A_273 = arith.constant 0 : i32
      %dma_start3A_274 = tpu.memref_slice %arg5[%reduce_sum3A_262, %dma_start3A_273] : memref<1000000x64xf32, #tpu.memory_space<hbm>> -> memref<1x64xf32, #tpu.memory_space<hbm>>
      tpu.enqueue_dma source(%dma_start3A_274 : memref<1x64xf32, #tpu.memory_space<hbm>>) target(%dma_start3A_272 : memref<1x64xf32, #tpu.memory_space<vmem>>) target_semaphore(%arg11 : memref<!tpu.dma_semaphore, #tpu.memory_space<semaphore_mem>>)
      %eq3A_275 = arith.constant 12 : i32
      %eq3A_276 = vector.broadcast %eq3A_275 : i32 to vector<16xi32>
      %eq3A_277 = arith.cmpi eq, %iota3A, %eq3A_276 : vector<16xi32>
      %select_n3A_278 = arith.select %eq3A_277, %add3A_38, %broadcast_in_dim3A_3 : vector<16xi1>, vector<16xi32>
      %reduce_sum3A_279 = arith.constant true
      %reduce_sum3A_280 = vector.broadcast %reduce_sum3A_279 : i1 to vector<16xi1>
      %reduce_sum3A_281 = tpu.scan <sum>, %select_n3A_278 masked %reduce_sum3A_280 : vector<16xi32>, vector<16xi1> -> vector<16xi32>
      %reduce_sum3A_282 = vector.extract %reduce_sum3A_281[15] : i32 from vector<16xi32>
      %mul3A_283 = arith.constant 16 : i32
      %mul3A_284 = arith.muli %scan3A_15, %mul3A_283 : i32
      %add3A_285 = arith.constant 12 : i32
      %add3A_286 = arith.addi %mul3A_284, %add3A_285 : i32
      %dma_start3A_287 = arith.constant 0 : i32
      %dma_start3A_288 = tpu.memref_slice %arg10[%add3A_286, %dma_start3A_287] : memref<512x64xf32, #tpu.memory_space<vmem>> -> memref<1x64xf32, #tpu.memory_space<vmem>>
      %dma_start3A_289 = arith.constant 0 : i32
      %dma_start3A_290 = tpu.memref_slice %arg5[%reduce_sum3A_282, %dma_start3A_289] : memref<1000000x64xf32, #tpu.memory_space<hbm>> -> memref<1x64xf32, #tpu.memory_space<hbm>>
      %dma_start3A_291 = arith.constant 0 : i32
      %dma_start3A_292 = tpu.memref_slice %arg10[%add3A_286, %dma_start3A_291] : memref<512x64xf32, #tpu.memory_space<vmem>> -> memref<1x64xf32, #tpu.memory_space<vmem>>
      %dma_start3A_293 = arith.constant 0 : i32
      %dma_start3A_294 = tpu.memref_slice %arg5[%reduce_sum3A_282, %dma_start3A_293] : memref<1000000x64xf32, #tpu.memory_space<hbm>> -> memref<1x64xf32, #tpu.memory_space<hbm>>
      tpu.enqueue_dma source(%dma_start3A_294 : memref<1x64xf32, #tpu.memory_space<hbm>>) target(%dma_start3A_292 : memref<1x64xf32, #tpu.memory_space<vmem>>) target_semaphore(%arg11 : memref<!tpu.dma_semaphore, #tpu.memory_space<semaphore_mem>>)
      %eq3A_295 = arith.constant 13 : i32
      %eq3A_296 = vector.broadcast %eq3A_295 : i32 to vector<16xi32>
      %eq3A_297 = arith.cmpi eq, %iota3A, %eq3A_296 : vector<16xi32>
      %select_n3A_298 = arith.select %eq3A_297, %add3A_38, %broadcast_in_dim3A_3 : vector<16xi1>, vector<16xi32>
      %reduce_sum3A_299 = arith.constant true
      %reduce_sum3A_300 = vector.broadcast %reduce_sum3A_299 : i1 to vector<16xi1>
      %reduce_sum3A_301 = tpu.scan <sum>, %select_n3A_298 masked %reduce_sum3A_300 : vector<16xi32>, vector<16xi1> -> vector<16xi32>
      %reduce_sum3A_302 = vector.extract %reduce_sum3A_301[15] : i32 from vector<16xi32>
      %mul3A_303 = arith.constant 16 : i32
      %mul3A_304 = arith.muli %scan3A_15, %mul3A_303 : i32
      %add3A_305 = arith.constant 13 : i32
      %add3A_306 = arith.addi %mul3A_304, %add3A_305 : i32
      %dma_start3A_307 = arith.constant 0 : i32
      %dma_start3A_308 = tpu.memref_slice %arg10[%add3A_306, %dma_start3A_307] : memref<512x64xf32, #tpu.memory_space<vmem>> -> memref<1x64xf32, #tpu.memory_space<vmem>>
      %dma_start3A_309 = arith.constant 0 : i32
      %dma_start3A_310 = tpu.memref_slice %arg5[%reduce_sum3A_302, %dma_start3A_309] : memref<1000000x64xf32, #tpu.memory_space<hbm>> -> memref<1x64xf32, #tpu.memory_space<hbm>>
      %dma_start3A_311 = arith.constant 0 : i32
      %dma_start3A_312 = tpu.memref_slice %arg10[%add3A_306, %dma_start3A_311] : memref<512x64xf32, #tpu.memory_space<vmem>> -> memref<1x64xf32, #tpu.memory_space<vmem>>
      %dma_start3A_313 = arith.constant 0 : i32
      %dma_start3A_314 = tpu.memref_slice %arg5[%reduce_sum3A_302, %dma_start3A_313] : memref<1000000x64xf32, #tpu.memory_space<hbm>> -> memref<1x64xf32, #tpu.memory_space<hbm>>
      tpu.enqueue_dma source(%dma_start3A_314 : memref<1x64xf32, #tpu.memory_space<hbm>>) target(%dma_start3A_312 : memref<1x64xf32, #tpu.memory_space<vmem>>) target_semaphore(%arg11 : memref<!tpu.dma_semaphore, #tpu.memory_space<semaphore_mem>>)
      %eq3A_315 = arith.constant 14 : i32
      %eq3A_316 = vector.broadcast %eq3A_315 : i32 to vector<16xi32>
      %eq3A_317 = arith.cmpi eq, %iota3A, %eq3A_316 : vector<16xi32>
      %select_n3A_318 = arith.select %eq3A_317, %add3A_38, %broadcast_in_dim3A_3 : vector<16xi1>, vector<16xi32>
      %reduce_sum3A_319 = arith.constant true
      %reduce_sum3A_320 = vector.broadcast %reduce_sum3A_319 : i1 to vector<16xi1>
      %reduce_sum3A_321 = tpu.scan <sum>, %select_n3A_318 masked %reduce_sum3A_320 : vector<16xi32>, vector<16xi1> -> vector<16xi32>
      %reduce_sum3A_322 = vector.extract %reduce_sum3A_321[15] : i32 from vector<16xi32>
      %mul3A_323 = arith.constant 16 : i32
      %mul3A_324 = arith.muli %scan3A_15, %mul3A_323 : i32
      %add3A_325 = arith.constant 14 : i32
      %add3A_326 = arith.addi %mul3A_324, %add3A_325 : i32
      %dma_start3A_327 = arith.constant 0 : i32
      %dma_start3A_328 = tpu.memref_slice %arg10[%add3A_326, %dma_start3A_327] : memref<512x64xf32, #tpu.memory_space<vmem>> -> memref<1x64xf32, #tpu.memory_space<vmem>>
      %dma_start3A_329 = arith.constant 0 : i32
      %dma_start3A_330 = tpu.memref_slice %arg5[%reduce_sum3A_322, %dma_start3A_329] : memref<1000000x64xf32, #tpu.memory_space<hbm>> -> memref<1x64xf32, #tpu.memory_space<hbm>>
      %dma_start3A_331 = arith.constant 0 : i32
      %dma_start3A_332 = tpu.memref_slice %arg10[%add3A_326, %dma_start3A_331] : memref<512x64xf32, #tpu.memory_space<vmem>> -> memref<1x64xf32, #tpu.memory_space<vmem>>
      %dma_start3A_333 = arith.constant 0 : i32
      %dma_start3A_334 = tpu.memref_slice %arg5[%reduce_sum3A_322, %dma_start3A_333] : memref<1000000x64xf32, #tpu.memory_space<hbm>> -> memref<1x64xf32, #tpu.memory_space<hbm>>
      tpu.enqueue_dma source(%dma_start3A_334 : memref<1x64xf32, #tpu.memory_space<hbm>>) target(%dma_start3A_332 : memref<1x64xf32, #tpu.memory_space<vmem>>) target_semaphore(%arg11 : memref<!tpu.dma_semaphore, #tpu.memory_space<semaphore_mem>>)
      %eq3A_335 = arith.constant 15 : i32
      %eq3A_336 = vector.broadcast %eq3A_335 : i32 to vector<16xi32>
      %eq3A_337 = arith.cmpi eq, %iota3A, %eq3A_336 : vector<16xi32>
      %select_n3A_338 = arith.select %eq3A_337, %add3A_38, %broadcast_in_dim3A_3 : vector<16xi1>, vector<16xi32>
      %reduce_sum3A_339 = arith.constant true
      %reduce_sum3A_340 = vector.broadcast %reduce_sum3A_339 : i1 to vector<16xi1>
      %reduce_sum3A_341 = tpu.scan <sum>, %select_n3A_338 masked %reduce_sum3A_340 : vector<16xi32>, vector<16xi1> -> vector<16xi32>
      %reduce_sum3A_342 = vector.extract %reduce_sum3A_341[15] : i32 from vector<16xi32>
      %mul3A_343 = arith.constant 16 : i32
      %mul3A_344 = arith.muli %scan3A_15, %mul3A_343 : i32
      %add3A_345 = arith.constant 15 : i32
      %add3A_346 = arith.addi %mul3A_344, %add3A_345 : i32
      %dma_start3A_347 = arith.constant 0 : i32
      %dma_start3A_348 = tpu.memref_slice %arg10[%add3A_346, %dma_start3A_347] : memref<512x64xf32, #tpu.memory_space<vmem>> -> memref<1x64xf32, #tpu.memory_space<vmem>>
      %dma_start3A_349 = arith.constant 0 : i32
      %dma_start3A_350 = tpu.memref_slice %arg5[%reduce_sum3A_342, %dma_start3A_349] : memref<1000000x64xf32, #tpu.memory_space<hbm>> -> memref<1x64xf32, #tpu.memory_space<hbm>>
      %dma_start3A_351 = arith.constant 0 : i32
      %dma_start3A_352 = tpu.memref_slice %arg10[%add3A_346, %dma_start3A_351] : memref<512x64xf32, #tpu.memory_space<vmem>> -> memref<1x64xf32, #tpu.memory_space<vmem>>
      %dma_start3A_353 = arith.constant 0 : i32
      %dma_start3A_354 = tpu.memref_slice %arg5[%reduce_sum3A_342, %dma_start3A_353] : memref<1000000x64xf32, #tpu.memory_space<hbm>> -> memref<1x64xf32, #tpu.memory_space<hbm>>
      tpu.enqueue_dma source(%dma_start3A_354 : memref<1x64xf32, #tpu.memory_space<hbm>>) target(%dma_start3A_352 : memref<1x64xf32, #tpu.memory_space<vmem>>) target_semaphore(%arg11 : memref<!tpu.dma_semaphore, #tpu.memory_space<semaphore_mem>>)
    }
    %scan3A_9 = arith.constant 32 : i32
    %dma_wait3A = arith.constant 0 : i32
    %dma_wait3A_10 = arith.constant 0 : i32
    %dma_wait3A_11 = tpu.memref_slice %arg5[%dma_wait3A, %dma_wait3A_10] : memref<1000000x64xf32, #tpu.memory_space<hbm>> -> memref<512x64xf32, #tpu.memory_space<hbm>>
    %dma_wait3A_12 = arith.constant 0 : i32
    %dma_wait3A_13 = arith.constant 0 : i32
    %dma_wait3A_14 = tpu.memref_slice %arg5[%dma_wait3A_12, %dma_wait3A_13] : memref<1000000x64xf32, #tpu.memory_space<hbm>> -> memref<512x64xf32, #tpu.memory_space<hbm>>
    tpu.wait_dma2 semaphore(%arg11 : memref<!tpu.dma_semaphore, #tpu.memory_space<semaphore_mem>>) src(%dma_wait3A_14 : memref<512x64xf32, #tpu.memory_space<hbm>>) dst(%arg10 : memref<512x64xf32, #tpu.memory_space<vmem>>)
    "tpu.region"() ({
      %run_scoped3A = tpu.sem_alloc : memref<!tpu.dma_semaphore, #tpu.memory_space<semaphore_mem>>
      %dma_start3A = arith.constant 0 : i32
      %dma_start3A_15 = tpu.memref_slice %arg6[%mul3A_2, %dma_start3A] : memref<16384x64xf32, #tpu.memory_space<hbm>> -> memref<512x64xf32, #tpu.memory_space<hbm>>
      %dma_start3A_16 = arith.constant 0 : i32
      %dma_start3A_17 = tpu.memref_slice %arg6[%mul3A_2, %dma_start3A_16] : memref<16384x64xf32, #tpu.memory_space<hbm>> -> memref<512x64xf32, #tpu.memory_space<hbm>>
      tpu.enqueue_dma source(%arg10 : memref<512x64xf32, #tpu.memory_space<vmem>>) target(%dma_start3A_17 : memref<512x64xf32, #tpu.memory_space<hbm>>) target_semaphore(%run_scoped3A : memref<!tpu.dma_semaphore, #tpu.memory_space<semaphore_mem>>)
      %dma_wait3A_18 = arith.constant 0 : i32
      %dma_wait3A_19 = tpu.memref_slice %arg6[%mul3A_2, %dma_wait3A_18] : memref<16384x64xf32, #tpu.memory_space<hbm>> -> memref<512x64xf32, #tpu.memory_space<hbm>>
      %dma_wait3A_20 = arith.constant 0 : i32
      %dma_wait3A_21 = tpu.memref_slice %arg6[%mul3A_2, %dma_wait3A_20] : memref<16384x64xf32, #tpu.memory_space<hbm>> -> memref<512x64xf32, #tpu.memory_space<hbm>>
      tpu.wait_dma2 semaphore(%run_scoped3A : memref<!tpu.dma_semaphore, #tpu.memory_space<semaphore_mem>>) src(%arg10 : memref<512x64xf32, #tpu.memory_space<vmem>>) dst(%dma_wait3A_21 : memref<512x64xf32, #tpu.memory_space<hbm>>)
      tpu.yield
    }) : () -> ()
    return
  }
}

</mosaic_0001>

<sc_bundles>
// kernel: _lookup.3.cloned.1.call-start
scs
__scs_entry_jumppad:
0x0: {  	(pc) =	sbr.rel $0x88, $3  }
0x1: {  	(tag) =	ssettag $0x0;
	lr =	simm.s32 $0x1  }
0x2: {  	[smem:$0x3F9D] =	sst lr;
	_ =	strace $0xD0000000  }
0x3: {  	_ = 	snop  }
0x4: {  	_ = 	snop  }
0x5: {  	_ = 	snop  }
0x6: {  	_ = 	snop  }
0x7: {  	_ = 	snop  }
__scs_overlays_trampoline_lowered:
0x8: {  	[smem:$0x3FAC] =	sst s0  }
0x9: {  	[smem:$0x3FAD] =	sst s1  }
0xa: {  	[smem:$0x3FAE] =	sst s2  }
0xb: {  	[smem:$0x3FAF] =	sst s3  }
0xc: {  	[smem:$0x3FB0] =	sst s4  }
0xd: {  	[smem:$0x3FB1] =	sst s5  }
0xe: {  	[smem:$0x3FB2] =	sst s6  }
0xf: {  	[smem:$0x3FB3] =	sst s7  }
0x10: {  	[smem:$0x3FB4] =	sst s8  }
0x11: {  	[smem:$0x3FB5] =	sst s9;
	s0 =	simm.s32 @!p0 $0x0  }
0x12: {  	s1 =	sld [smem:$0x3F9B];
	s0 =	simm.s32 @p0 $0x1  }
0x13: {  	[smem:$0x3FB6] =	sst s0;
	s0 =	simm.s32 @!p1 $0x0  }
0x14: {  	s2 =	sld [smem:$0x3F9A];
	s0 =	simm.s32 @p1 $0x1  }
0x15: {  	[smem:$0x3FB7] =	sst s0;
	s0 =	simm.s32 @!p2 $0x0  }
0x16: {  	s3 =	sld [smem:$0x3FDB];
	s0 =	simm.s32 @p2 $0x1  }
0x17: {  	s4 =	simm.s32 $0x1BF5;
	[smem:$0x3FB9] =	sst s0  }
0x18: {  	s0 =	sld [smem:$0x3F9C];
	_ =	swait.ge [sflag:s4], $0x0  }
0x19: {  	s7 =	sld [smem:$0x3F9D]  }
0x1a: {  	s8 =	sadd.s32 $0xFFFFE003, lr  }
0x1b: {  	s9 =	sadd.s32 $0xFFFFFEF7, lr;
	s5 =	simm.s32 $0xFFFFFFFF;
	p2 =	slt.u32 s8, $0xFFFFF086  }
0x1c: {  	p1 =	slt.u32 s9, $0xF7A;
	s5 =	simm.s32 @!p2 $0x0  }
0x1d: {  	s5 =	simm.s32 @p1 $0x1;
	p0 =	seq.s32 s7, s2  }
0x1e: {  	s7 =	smul.u32 @!p0 $0xF7A, s2;
	p2 =	seq.s32 @!p0 s5, $0x0  }
0x1f: {  	s9 =	smul.u32 $0xF7A, s1;
	s8 =	simm.s32 @!p0 $0x1BF5;
	p2 =	por !p2, p0  }
0x20: {  	[sflag:s8] =	ssyncset.s32 @!p0 $0xFFFFF086;
	s6 =	sadd.s32 @!p0 s3, s7;
	s7 =	simm.s32 @!p0 $0x108  }
0x21: {  	s3 =	sadd.s32 s3, s9;
	s6 =	sadd.s32 @!p0 $0x88, s6;
	s7 =	simm.s32 @p2 $0x1082  }
0x22: {  	[simem:s7], [sflag:s8] =	dma.local @!p0 [hbm:s6], $0xF7A  }
0x23: {  	s9 =	sor.u32 $0xD0000000, s2;
	s6 =	simm.s32 $0x108;
	_ =	swait.ge @!p0 [sflag:s8], $0x0  }
0x24: {  	s3 =	sadd.s32 $0x88, s3;
	s6 =	simm.s32 @!p1 $0x1082;
	[sflag:s4] =	ssyncset.s32 $0xFFFFF086  }
0x25: {  	[simem:s6], [sflag:s4] =	dma.local [hbm:s3], $0xF7A  }
0x26: {  	[smem:$0x3F9D] =	sst s1;
	(tag) =	ssettag s2;
	_ =	strace s9  }
0x27: {  	s1 =	sld [smem:$0x3FAD]  }
0x28: {  	s2 =	sld [smem:$0x3FAE]  }
0x29: {  	s4 =	sld [smem:$0x3FB0]  }
0x2a: {  	p0 =	seq.s32 s5, $0x0;
	s5 =	sld [smem:$0x3FB1]  }
0x2b: {  	s6 =	sld [smem:$0x3FB2]  }
0x2c: {  	s7 =	sld [smem:$0x3FB3]  }
0x2d: {  	s3 =	simm.s32 $0x108;
	s8 =	sld [smem:$0x3FB4]  }
0x2e: {  	s3 =	simm.s32 @!p0 $0x1082;
	s9 =	sld [smem:$0x3FB5]  }
0x2f: {  	lr =	sadd.s32 s0, s3;
	s0 =	sld [smem:$0x3FAC]  }
0x30: {  	s3 =	sld [smem:$0x3FAF]  }
0x31: {  	[smem:$0x3FB8] =	sst s10  }
0x32: {  	s10 =	sld [smem:$0x3FB6];
	_ =	sdelay $0x3  }
0x33: {  	p0 =	seq.s32 s10, $0x1;
	s10 =	sld [smem:$0x3FB8];
	_ =	sdelay $0x3  }
0x34: {  	[smem:$0x3FB8] =	sst s10  }
0x35: {  	s10 =	sld [smem:$0x3FB7];
	_ =	sdelay $0x3  }
0x36: {  	p1 =	seq.s32 s10, $0x1;
	s10 =	sld [smem:$0x3FB8];
	_ =	sdelay $0x3  }
0x37: {  	[smem:$0x3FB8] =	sst s10  }
0x38: {  	s10 =	sld [smem:$0x3FB9]  }
0x39: {  	_ = 	snop;
	(pc) =	sbr.ind lr, $3  }
0x3a: {  	_ = 	snop  }
0x3b: {  	_ = 	snop  }
0x3c: {  	p2 =	seq.s32 s10, $0x1;
	s10 =	sld [smem:$0x3FB8]  }
0x3d: {  	_ =	shalt  }
0x3e: {  	_ =	shalt  }
0x3f: {  	_ =	shalt  }
0x40: {  	_ =	shalt  }
0x41: {  	_ =	shalt  }
0x42: {  	_ =	shalt  }
0x43: {  	_ =	shalt  }
0x44: {  	_ =	shalt  }
0x45: {  	_ =	shalt  }
0x46: {  	_ =	shalt  }
0x47: {  	_ =	shalt  }
0x48: {  	_ =	shalt  }
0x49: {  	_ =	shalt  }
0x4a: {  	_ =	shalt  }
0x4b: {  	_ =	shalt  }
0x4c: {  	_ =	shalt  }
0x4d: {  	_ =	shalt  }
0x4e: {  	_ =	shalt  }
0x4f: {  	_ =	shalt  }
0x50: {  	_ =	shalt  }
0x51: {  	_ =	shalt  }
0x52: {  	_ =	shalt  }
0x53: {  	_ =	shalt  }
0x54: {  	_ =	shalt  }
0x55: {  	_ =	shalt  }
0x56: {  	_ =	shalt  }
0x57: {  	_ =	shalt  }
0x58: {  	_ =	shalt  }
0x59: {  	_ =	shalt  }
0x5a: {  	_ =	shalt  }
0x5b: {  	_ =	shalt  }
0x5c: {  	_ =	shalt  }
0x5d: {  	_ =	shalt  }
0x5e: {  	_ =	shalt  }
0x5f: {  	_ =	shalt  }
0x60: {  	_ =	shalt  }
0x61: {  	_ =	shalt  }
0x62: {  	_ =	shalt  }
0x63: {  	_ =	shalt  }
0x64: {  	_ =	shalt  }
0x65: {  	_ =	shalt  }
0x66: {  	_ =	shalt  }
0x67: {  	_ =	shalt  }
0x68: {  	_ =	shalt  }
0x69: {  	_ =	shalt  }
0x6a: {  	_ =	shalt  }
0x6b: {  	_ =	shalt  }
0x6c: {  	_ =	shalt  }
0x6d: {  	_ =	shalt  }
0x6e: {  	_ =	shalt  }
0x6f: {  	_ =	shalt  }
0x70: {  	_ =	shalt  }
0x71: {  	_ =	shalt  }
0x72: {  	_ =	shalt  }
0x73: {  	_ =	shalt  }
0x74: {  	_ =	shalt  }
0x75: {  	_ =	shalt  }
0x76: {  	_ =	shalt  }
0x77: {  	_ =	shalt  }
0x78: {  	_ =	shalt  }
0x79: {  	_ =	shalt  }
0x7a: {  	_ =	shalt  }
0x7b: {  	_ =	shalt  }
0x7c: {  	_ =	shalt  }
0x7d: {  	_ =	shalt  }
0x7e: {  	_ =	shalt  }
0x7f: {  	_ =	shalt  }
0x80: {  	_ =	shalt  }
0x81: {  	_ =	shalt  }
0x82: {  	_ =	shalt  }
0x83: {  	_ =	shalt  }
0x84: {  	_ =	shalt  }
0x85: {  	_ =	shalt  }
0x86: {  	_ =	shalt  }
0x87: {  	_ =	shalt  }
.Lfunc_end0:
.L_simem_size_0:
called_computation_lowered:
.L_overlay_start_0:
0x88: {  	s2 =	sld [smem:$0x3FD9]  }
0x89: {  	s3 =	sld [smem:$0x3FFE];
	_ =	sdelay $0x1  }
0x8a: {  	s1 =	srdreg.scid  }
0x8b: {  	s0 =	sand.u32 $0x1, s1  }
0x8c: {  	s17 =	sshll.u32 s0, $0xA;
	s2 =	sadd.s32 s3, s2  }
0x8d: {  	s2 =	sadd.s32 s2, s17  }
0x8e: {  	[smem:$0x3FC4] =	sst s2  }
0x8f: {  	_ = 	snop  }
0x90: {  	s2 =	sld [smem:$0x3FC9]  }
0x91: {  	s18 =	sld [smem:$0x3FC8]  }
0x92: {  	s4 =	sld [smem:$0x3FC7];
	(tm) =	ssettm $0x1  }
0x93: {  	s5 =	sld [smem:$0x3FFB];
	_ =	sdelay $0x3  }
0x94: {  	_ =	strace s5  }
0x95: {  	s5 =	sld [smem:$0x3FFC];
	_ =	sdelay $0x3  }
0x96: {  	_ =	strace s5  }
0x97: {  	s5 =	sld [smem:$0x3FFD];
	_ =	sdelay $0x3  }
0x98: {  	_ =	strace s5  }
0x99: {  	_ =	strace $0x8FFFFFFF  }
0x9a: {  	s19 =	sld [smem:$0x3FDB];
	_ =	sdelay $0x1  }
0x9b: {  	s6 =	simm.s32 $_scs_section_size  }
0x9c: {  	s7 =	simm.s32 $_size__tile_overlayer_lowered;
	s8 =	simm.s32 $_tile_overlayer_lowered  }
0x9d: {  	s22 =	simm.s32 $0x1BFF;
	s21 =	sshll.u32 s8, $0x1;
	s5 =	sadd.s32 s6, s19  }
0x9e: {  	s9 =	simm.s32 $0x0;
	s20 =	sshll.u32 s7, $0x1;
	s7 =	sadd.s32 s21, s5  }
0x9f: {  	[timem:s9], [sflag:s22] =	dma.local [hbm:s7], s20  }
0xa0: {  	_ =	swait.ge [sflag:s22], s20  }
0xa1: {  	s6 =	ssub.s32 $0x0, s20;
	[sflag:s22] =	ssyncset.done $0x0  }
0xa2: {  	[sflag:s22] =	ssyncadd.s32 s6;
	_ =	sdelay $0x1  }
0xa3: {  	s23 =	simm.s32 $0x1B8B  }
0xa4: {  	_ =	swait.ge [sflag:s23], $0x1  }
0xa5: {  	[sflag:s23] =	ssyncset.done $0x0  }
0xa6: {  	s25 =	simm.s32 $0x1B8E;
	s24 =	sld [smem:$0x3FFE];
	[sflag:s23] =	ssyncadd.s32 $0xFFFFFFFF  }
0xa7: {  	s26 =	simm.s32 $execute0_lowered;
	[smem:$0x3FD2] =	sst s25  }
0xa8: {  	s7 =	sshll.u32 s26, $0x1;
	_ =	strace $0x80000046;
	[dreg:$0x1] =	wrdreg $0xFFFFFFFF  }
0xa9: {  	s28 =	simm.s32 $_size_execute0_lowered;
	s5 =	sadd.s32 s5, s7;
	[dreg:$0x0] =	wrdreg $0x0  }
0xaa: {  	s7 =	sshll.u32 s28, $0x1;
	[dreg:$0x2] =	wrdreg s5  }
0xab: {  	[dreg:$0x3] =	wrdreg s7  }
0xac: {  	[dreg:$0x4] =	wrdreg $0xC0  }
0xad: {  	_ =	task [dreg:s9], $0x5FFFF  }
0xae: {  	[dreg:$0x1] =	wrdreg $0xFFFFFFFF  }
0xaf: {  	[dreg:$0x0] =	wrdreg $0x60  }
0xb0: {  	[dreg:$0x2] =	wrdreg s2  }
0xb1: {  	[dreg:$0x3] =	wrdreg s18  }
0xb2: {  	[dreg:$0x4] =	wrdreg s4  }
0xb3: {  	[dreg:$0x5] =	wrdreg s24  }
0xb4: {  	[dreg:$0x6] =	wrdreg $0x9  }
0xb5: {  	_ =	task.clear_ibuf [dreg:s9], $0x7FFFF;
	_ =	strace $0x90000046  }
0xb6: {  	s29 =	simm.s32 $0x9;
	_ =	strace $0x80000048  }
0xb7: {  	_ =	swait.ge [sflag:s29], $0x1  }
0xb8: {  	[sflag:s29] =	ssyncadd.s32 $0xFFFFFFFF  }
0xb9: {  	_ =	strace $0x90000048  }
0xba: {  	_ =	sfence  }
0xbb: {  	s30 =	sld [smem:$0x0];
	_ =	sdelay $0x2  }
0xbc: {  	s31 =	sshll.u32 s1, $0xD;
	s1 =	sshrl.u32 s1, $0x2  }
0xbd: {  	s3 =	sand.u32 $0x4000, s31;
	s1 =	sadd.s32 s1, s30  }
0xbe: {  	s0 =	sor.u32 s3, s0;
	s1 =	sshll.u32 s1, $0x11  }
0xbf: {  	s0 =	sor.u32 s1, s0  }
0xc0: {  	s0 =	sadd.s32 $0x8F2B, s0  }
0xc1: {  	[sflag:s0] =	ssyncadd.remote.s32 $0x1  }
0xc2: {  	_ =	sfence.sel $0xFFFF  }
0xc3: {  	[dreg:$0x0] =	wrdreg $0xFFFFFFFF;
	(pc) =	sbr.abs _section_cstart, $3  }
0xc4: {  	[dreg:$0x1] =	wrdreg $0xFFFFFFFF  }
0xc5: {  	_ =	task.clear_ibuf [dreg:s9], $0x2FFFF;
	_ =	strace $0x9FFFFFFF  }
0xc6: {  	(tm) =	ssettm $0x7FFFFFFF  }
0xc7: {  	_ =	shalt  }
tec
execute0_lowered:
.L_overlay_start_1:
0x0: {  	(tag) =	ssettag $0x1  }
0x1: {  	s4 =	rddreg [dreg:$0x0]  }
0x2: {  	s5 =	rddreg [dreg:$0x1]  }
0x3: {  	s6 =	rddreg [dreg:$0x2]  }
0x4: {  	s7 =	rddreg [dreg:$0x3]  }
0x5: {  	s3 =	srdreg.scid;
	s2 =	simm.s32 $0x0;
	s0 =	stileid.u32  }
0x6: {  	s12 =	simm.s32 $0x0;
	s3 =	sand.u32 $0x1, s3;
	[smem:$0x7FF] =	sst s2  }
0x7: {  	vm0 =	vmmov $0x1;
	s8 =	sshll.u32 s0, $0xA;
	s9 =	sshll.u32 s3, $0x9;
	_ =	strace $0x80000047  }
0x8: {  	vm1 =	vcmask $0x308;
	vm2 =	vcmask $0x70C;
	vm3 =	vcmask $0xB10;
	s31 =	ssub.s32 $0x2, s3;
	s3 =	sadd.s32 $0x400, s7;
	s8 =	sor.u32 s9, s8  }
0x9: {  	vm4 =	vcmask $0xF14;
	vm5 =	vcmask $0x1318;
	vm6 =	vcmask $0x171C;
	s11 =	sshrl.u32 s31, $0x1;
	s10 =	sshll.u32 s8, $0x4;
	s8 =	sshrl.u32 s8, $0x3  }
0xa: {  	vm7 =	vcmask $0x1B20;
	vm8 =	vcmask $0x1F24;
	vm9 =	vcmask $0x2328;
	s9 =	ssub.s32 s31, s11;
	s7 =	sadd.s32 s10, s7;
	s4 =	sadd.s32 s4, s8  }
0xb: {  	vm10 =	vcmask $0x272C;
	vm11 =	vcmask $0x2B30;
	vm12 =	vcmask $0x2F34;
	s5 =	sadd.s32 s5, s8;
	s6 =	sadd.s32 s6, s8;
	s8 =	smax.u32 s9, $0x1  }
0xc: {  	vm13 =	vcmask $0x3338;
	vm14 =	vcmask $0x373C;
	vm15 =	vmmov $0x7fff;
	s9 =	simm.s32 $0x2;
	s10 =	simm.s32 $0x1;
	s7 =	sadd.s32 $0xF42800, s7  }
.LBB2_1:
0xd: {  	[tilespmem:s2], [sflag:$0x2] =	stream.linear.gather [hbm4b:s4+s2], $0x200, $0x38;
	[tilespmem:$0x10600] =	vst v63  }
0xe: {  	_ =	swait.ge [sflag:s9], $0x200  }
0xf: {  	[sflag:s9] =	ssyncset.done $0x0  }
0x10: {  	s13 =	simm.s32 $0x200;
	[sflag:s9] =	ssyncadd.s32 $0xFFFFFE00  }
0x11: {  	[tilespmem:s13], [sflag:$0x2] =	stream.linear.gather [hbm4b:s5+s2], $0x200, $0x38;
	[tilespmem:$0x10600] =	vst v63  }
0x12: {  	_ =	swait.ge [sflag:s9], $0x200  }
0x13: {  	[sflag:s9] =	ssyncset.done $0x0  }
0x14: {  	s14 =	simm.s32 $0x400;
	[sflag:s9] =	ssyncadd.s32 $0xFFFFFE00  }
0x15: {  	[tilespmem:s14], [sflag:$0x2] =	stream.linear.gather [hbm4b:s6+s2], $0x200, $0x38;
	[tilespmem:$0x10600] =	vst v63  }
0x16: {  	_ =	swait.ge [sflag:s9], $0x200  }
0x17: {  	[sflag:s9] =	ssyncset.done $0x0  }
0x18: {  	[sflag:s9] =	ssyncadd.s32 $0xFFFFFE00  }
0x19: {  	v0 =	vld [tilespmem:s13+$0x0]  }
0x1a: {  	v1 =	vld [tilespmem:s14+$0x0]  }
0x1b: {  	v2 =	vld [tilespmem:s2+$0x0];
	_ =	sdelay $0x2  }
0x1c: {  	v0 =	vmul.f32 $1.000000000e+02, v0  }
0x1d: {  	v1 =	vmul.f32 $1.000000000e+02, v1  }
0x1e: {  	v2 =	vmul.f32 $1.000000000e+02, v2;
	v0 =	vtrunc.f32 v0  }
0x1f: {  	v1 =	vtrunc.f32 v1;
	v0 =	vcvt.f32.s32 v0  }
0x20: {  	v2 =	vtrunc.f32 v2;
	v1 =	vcvt.f32.s32 v1  }
0x21: {  	v2 =	vcvt.f32.s32 v2;
	v0 =	vmul.u32 $0x64, v0  }
0x22: {  	v1 =	vmul.u32 $0x2710, v1  }
0x23: {  	v0 =	vadd.s32 v2, v0  }
0x24: {  	v0 =	vadd.s32 v1, v0  }
0x25: {  	v1 =	vnsel vm0, $0x0, v0  }
0x26: {  	(xrf0) =	vadd.scan.msk.s32 $0xffff, v1;
	_ =	sdelay $0x3  }
0x27: {  	v36 =	vsel vm1, $0x0, v0  }
0x28: {  	(xrf0) =	vadd.scan.msk.s32 $0xffff, v36  }
0x29: {  	v37 =	vsel vm2, $0x0, v0;
	v39, _, _ =	vpop (xrf0)  }
0x2a: {  	(xrf0) =	vadd.scan.msk.s32 $0xffff, v37;
	(v2sf) =	vpush v39, $0xF  }
0x2b: {  	v38 =	vsel vm3, $0x0, v0  }
0x2c: {  	v40 =	vsel vm4, $0x0, v0;
	(xrf0) =	vadd.scan.msk.s32 $0xffff, v38  }
0x2d: {  	(xrf0) =	vadd.scan.msk.s32 $0xffff, v40  }
0x2e: {  	v43 =	vsel vm5, $0x0, v0;
	v41, _, _ =	vpop (xrf0)  }
0x2f: {  	(xrf0) =	vadd.scan.msk.s32 $0xffff, v43;
	(v2sf) =	vpush v41, $0xF  }
0x30: {  	v45 =	vsel vm6, $0x0, v0;
	v42, _, _ =	vpop (xrf0)  }
0x31: {  	v3 =	vsel vm7, $0x0, v0;
	(xrf0) =	vadd.scan.msk.s32 $0xffff, v45;
	(v2sf) =	vpush v42, $0xF  }
0x32: {  	v44, _, _ =	vpop (xrf0);
	(xrf0) =	vadd.scan.msk.s32 $0xffff, v3  }
0x33: {  	(v2sf) =	vpush v44, $0xF;
	v46, _, _ =	vpop (xrf0)  }
0x34: {  	(v2sf) =	vpush v46, $0xF  }
0x35: {  	v47, _, _ =	vpop (xrf0)  }
0x36: {  	(v2sf) =	vpush v47, $0xF  }
0x37: {  	v49, _, _ =	vpop (xrf0)  }
0x38: {  	v48 =	vsel vm8, $0x0, v0;
	v3, _, _ =	vpop (xrf0);
	(v2sf) =	vpush v49, $0xF  }
0x39: {  	(xrf0) =	vadd.scan.msk.s32 $0xffff, v48;
	s17 =	spop (v2sf);
	(v2sf) =	vpush v3, $0xF;
	_ =	sdelay $0x1  }
0x3a: {  	s15 =	simm.s32 $0x0;
	s20 =	simm.s32 $0xA00  }
0x3b: {  	s18 =	simm.s32 $0xC00;
	s16 =	simm.s32 $0x800;
	s23 =	simm.s32 $0x980;
	v50 =	vsel vm9, $0x0, v0  }
0x3c: {  	s19 =	simm.s32 $0xB00;
	s22 =	simm.s32 $0x600;
	s24 =	simm.s32 $0x680;
	(xrf0) =	vadd.scan.msk.s32 $0xffff, v50  }
0x3d: {  	s21 =	simm.s32 $0xA80;
	s17 =	sshll.u32 s17, $0x4;
	s25 =	spop (v2sf)  }
0x3e: {  	s14 =	simm.s32 $0x700;
	v53 =	vsel vm10, $0x0, v0;
	v51, _, _ =	vpop (xrf0);
	s17 =	sand.u32 $0x1FFFFFF0, s17;
	s25 =	sshll.u32 s25, $0x4  }
0x3f: {  	(xrf0) =	vadd.scan.msk.s32 $0xffff, v53;
	(v2sf) =	vpush v51, $0xF;
	s26 =	spop (v2sf);
	s17 =	sadd.s32 s3, s17;
	s29 =	sand.u32 $0x1FFFFFF0, s25  }
0x40: {  	[tilespmem:s22], [sflag:$0x1] =	stream.linear.gather [hbm4b:s17+s2], $0x80, $0x38;
	[tilespmem:$0x10600] =	vst v63  }
0x41: {  	v54 =	vsel vm11, $0x0, v0;
	s30 =	sshll.u32 s26, $0x4;
	s31 =	spop (v2sf);
	s22 =	sadd.s32 s3, s29  }
0x42: {  	(xrf0) =	vadd.scan.msk.s32 $0xffff, v54;
	v52, _, _ =	vpop (xrf0);
	s25 =	sand.u32 $0x1FFFFFF0, s30;
	s1 =	sshll.u32 s31, $0x4;
	s11 =	spop (v2sf)  }
0x43: {  	v55 =	vsel vm12, $0x0, v0;
	(v2sf) =	vpush v52, $0xF;
	[tilespmem:s24], [sflag:$0x1] =	stream.linear.gather [hbm4b:s22+s2], $0x80, $0x38;
	[tilespmem:$0x10600] =	vst v63  }
0x44: {  	(xrf0) =	vadd.scan.msk.s32 $0xffff, v55;
	s30 =	simm.s32 $0x780;
	s0 =	sadd.s32 s3, s25;
	s31 =	spop (v2sf)  }
0x45: {  	[tilespmem:s14], [sflag:$0x1] =	stream.linear.gather [hbm4b:s0+s2], $0x80, $0x38;
	[tilespmem:$0x10600] =	vst v63  }
0x46: {  	v56 =	vsel vm13, $0x0, v0;
	v58, _, _ =	vpop (xrf0);
	s26 =	sand.u32 $0x1FFFFFF0, s1;
	s29 =	sshll.u32 s11, $0x4;
	s1 =	spop (v2sf)  }
0x47: {  	(xrf0) =	vadd.scan.msk.s32 $0xffff, v56;
	s24 =	sand.u32 $0x1FFFFFF0, s29;
	s14 =	sadd.s32 s3, s26;
	s11 =	spop (v2sf);
	(v2sf) =	vpush v58, $0xF  }
0x48: {  	v57 =	vsel vm14, $0x0, v0;
	v59, _, _ =	vpop (xrf0);
	[tilespmem:s30], [sflag:$0x1] =	stream.linear.gather [hbm4b:s14+s2], $0x80, $0x38;
	[tilespmem:$0x10600] =	vst v63  }
0x49: {  	s13 =	simm.s32 $0x2000;
	(xrf0) =	vadd.scan.msk.s32 $0xffff, v57;
	s24 =	sadd.s32 s3, s24;
	s0 =	sshll.u32 s31, $0x4;
	(v2sf) =	vpush v59, $0xF  }
0x4a: {  	v0 =	vsel vm15, $0x0, v0;
	v60, _, _ =	vpop (xrf0);
	[tilespmem:s16], [sflag:$0x1] =	stream.linear.gather [hbm4b:s24+s2], $0x80, $0x38;
	[tilespmem:$0x10600] =	vst v63  }
0x4b: {  	(xrf0) =	vadd.scan.msk.s32 $0xffff, v0;
	s17 =	simm.s32 $0x880;
	s25 =	sshll.u32 s1, $0x4;
	s24 =	sand.u32 $0x1FFFFFF0, s0;
	(v2sf) =	vpush v60, $0xF  }
0x4c: {  	s22 =	simm.s32 $0xB80;
	s25 =	sand.u32 $0x1FFFFFF0, s25;
	s24 =	sadd.s32 s3, s24  }
0x4d: {  	v61, _, _ =	vpop (xrf0);
	[tilespmem:s17], [sflag:$0x1] =	stream.linear.gather [hbm4b:s24+s2], $0x80, $0x38;
	[tilespmem:$0x10600] =	vst v63  }
0x4e: {  	s14 =	simm.s32 $0x210;
	s29 =	sadd.s32 s3, s25;
	s31 =	spop (v2sf);
	(v2sf) =	vpush v61, $0xF  }
0x4f: {  	v62, _, _ =	vpop (xrf0);
	s16 =	simm.s32 $0x410;
	s24 =	simm.s32 $0x900;
	s26 =	sshll.u32 s11, $0x4  }
0x50: {  	[tilespmem:s24], [sflag:$0x1] =	stream.linear.gather [hbm4b:s29+s2], $0x80, $0x38;
	(v2sf) =	vpush v62, $0xF;
	[tilespmem:$0x10600] =	vst v63  }
0x51: {  	v63, _, _ =	vpop (xrf0);
	s17 =	simm.s32 $0x10;
	s30 =	sand.u32 $0x1FFFFFF0, s26;
	s24 =	sshll.u32 s31, $0x4  }
0x52: {  	s28 =	spop (v2sf);
	s25 =	sadd.s32 s3, s30;
	s26 =	sand.u32 $0x1FFFFFF0, s24;
	(v2sf) =	vpush v63, $0xF  }
0x53: {  	[tilespmem:s23], [sflag:$0x1] =	stream.linear.gather [hbm4b:s25+s2], $0x80, $0x38;
	[tilespmem:$0x10600] =	vst v63  }
0x54: {  	s28 =	sshll.u32 s28, $0x4;
	s23 =	simm.s32 $0xD80;
	s25 =	simm.s32 $0xC80  }
.LBB2_2:
0x55: {  	s26 =	sadd.s32 s3, s26  }
0x56: {  	s28 =	sand.u32 $0x1FFFFFF0, s28;
	s29 =	spop (v2sf);
	s24 =	smov.u32 s13  }
0x57: {  	[tilespmem:s20], [sflag:$0x1] =	stream.linear.gather [hbm4b:s26+s2], $0x80, $0x38;
	[tilespmem:$0x10600] =	vst v63  }
0x58: {  	s20 =	sadd.s32 s3, s28;
	s26 =	sshll.u32 s29, $0x4;
	s28 =	spop (v2sf)  }
0x59: {  	[tilespmem:s21], [sflag:$0x1] =	stream.linear.gather [hbm4b:s20+s2], $0x80, $0x38;
	[tilespmem:$0x10600] =	vst v63  }
0x5a: {  	s20 =	sand.u32 $0x1FFFFFF0, s26;
	s21 =	sshll.u32 s28, $0x4;
	s26 =	spop (v2sf)  }
0x5b: {  	s20 =	sadd.s32 s3, s20;
	s21 =	sand.u32 $0x1FFFFFF0, s21;
	s26 =	sshll.u32 s26, $0x4  }
0x5c: {  	[tilespmem:s19], [sflag:$0x1] =	stream.linear.gather [hbm4b:s20+s2], $0x80, $0x38;
	[tilespmem:$0x10600] =	vst v63  }
0x5d: {  	s19 =	sadd.s32 s3, s21;
	s20 =	sand.u32 $0x1FFFFFF0, s26;
	s21 =	spop (v2sf)  }
0x5e: {  	[tilespmem:s22], [sflag:$0x1] =	stream.linear.gather [hbm4b:s19+s2], $0x80, $0x38;
	[tilespmem:$0x10600] =	vst v63  }
0x5f: {  	s19 =	sadd.s32 s3, s20;
	s20 =	sshll.u32 s21, $0x4;
	s21 =	spop (v2sf)  }
0x60: {  	[tilespmem:s18], [sflag:$0x1] =	stream.linear.gather [hbm4b:s19+s2], $0x80, $0x38;
	[tilespmem:$0x10600] =	vst v63  }
0x61: {  	s18 =	sand.u32 $0x1FFFFFF0, s20;
	s19 =	sshll.u32 s21, $0x4;
	s20 =	spop (v2sf)  }
0x62: {  	s18 =	sadd.s32 s3, s18;
	s19 =	sand.u32 $0x1FFFFFF0, s19;
	s20 =	sshll.u32 s20, $0x4  }
0x63: {  	[tilespmem:s25], [sflag:$0x1] =	stream.linear.gather [hbm4b:s18+s2], $0x80, $0x38;
	[tilespmem:$0x10600] =	vst v63  }
0x64: {  	s15 =	sadd.s32 $0xD00, s15;
	s18 =	sadd.s32 s3, s19;
	s19 =	sand.u32 $0x1FFFFFF0, s20  }
0x65: {  	[tilespmem:s15], [sflag:$0x1] =	stream.linear.gather [hbm4b:s18+s2], $0x80, $0x38;
	[tilespmem:$0x10600] =	vst v63  }
0x66: {  	p0 =	sne.s32 s13, $0x3E000;
	s13 =	sadd.s32 $0x2000, s13;
	s15 =	sadd.s32 s3, s19  }
0x67: {  	[tilespmem:s23], [sflag:$0x1] =	stream.linear.gather [hbm4b:s15+s2], $0x80, $0x38;
	[tilespmem:$0x10600] =	vst v63  }
0x68: {  	v0 =	vld [tilespmem:s14+$0x0]  }
0x69: {  	v1 =	vld [tilespmem:s16+$0x0]  }
0x6a: {  	v2 =	vld [tilespmem:s17+$0x0];
	_ =	sdelay $0x2  }
0x6b: {  	v0 =	vmul.f32 $1.000000000e+02, v0  }
0x6c: {  	v1 =	vmul.f32 $1.000000000e+02, v1  }
0x6d: {  	v2 =	vmul.f32 $1.000000000e+02, v2;
	v0 =	vtrunc.f32 v0  }
0x6e: {  	v0 =	vcvt.f32.s32 v0;
	v1 =	vtrunc.f32 v1  }
0x6f: {  	v2 =	vtrunc.f32 v2;
	v1 =	vcvt.f32.s32 v1  }
0x70: {  	v2 =	vcvt.f32.s32 v2;
	v0 =	vmul.u32 $0x64, v0  }
0x71: {  	v1 =	vmul.u32 $0x2710, v1  }
0x72: {  	v0 =	vadd.s32 v2, v0  }
0x73: {  	v0 =	vadd.s32 v1, v0  }
0x74: {  	v1 =	vnsel vm0, $0x0, v0;
	v2 =	vsel vm1, $0x0, v0;
	v3 =	vsel vm2, $0x0, v0  }
0x75: {  	v4 =	vsel vm3, $0x0, v0;
	v5 =	vsel vm4, $0x0, v0;
	v6 =	vsel vm5, $0x0, v0;
	(xrf0) =	vadd.scan.msk.s32 $0xffff, v1  }
0x76: {  	v7 =	vsel vm7, $0x0, v0;
	v8 =	vsel vm8, $0x0, v0;
	v1 =	vsel vm6, $0x0, v0;
	(xrf0) =	vadd.scan.msk.s32 $0xffff, v2  }
0x77: {  	v9 =	vsel vm10, $0x0, v0;
	v10 =	vsel vm11, $0x0, v0;
	v2 =	vsel vm9, $0x0, v0;
	(xrf0) =	vadd.scan.msk.s32 $0xffff, v3  }
0x78: {  	v11 =	vsel vm13, $0x0, v0;
	v12 =	vsel vm14, $0x0, v0;
	v3 =	vsel vm12, $0x0, v0;
	(xrf0) =	vadd.scan.msk.s32 $0xffff, v4  }
0x79: {  	v0 =	vsel vm15, $0x0, v0;
	(xrf0) =	vadd.scan.msk.s32 $0xffff, v5  }
0x7a: {  	(xrf0) =	vadd.scan.msk.s32 $0xffff, v6  }
0x7b: {  	v4, _, _ =	vpop (xrf0);
	(xrf0) =	vadd.scan.msk.s32 $0xffff, v1  }
0x7c: {  	(v2sf) =	vpush v4, $0xF;
	v1, _, _ =	vpop (xrf0);
	(xrf0) =	vadd.scan.msk.s32 $0xffff, v7  }
0x7d: {  	(v2sf) =	vpush v1, $0xF;
	v1, _, _ =	vpop (xrf0);
	(xrf0) =	vadd.scan.msk.s32 $0xffff, v8  }
0x7e: {  	(v2sf) =	vpush v1, $0xF;
	v1, _, _ =	vpop (xrf0);
	(xrf0) =	vadd.scan.msk.s32 $0xffff, v2  }
0x7f: {  	v2, _, _ =	vpop (xrf0);
	(xrf0) =	vadd.scan.msk.s32 $0xffff, v9  }
0x80: {  	s15 =	sshra.s32 s24, $0x2;
	v4, _, _ =	vpop (xrf0);
	(xrf0) =	vadd.scan.msk.s32 $0xffff, v10  }
0x81: {  	s28 =	sadd.s32 $0x700, s15;
	s20 =	sadd.s32 $0xA00, s15;
	s18 =	sadd.s32 $0xC00, s15;
	(v2sf) =	vpush v1, $0xF;
	v1, _, _ =	vpop (xrf0);
	(xrf0) =	vadd.scan.msk.s32 $0xffff, v3  }
0x82: {  	s25 =	sadd.s32 $0x800, s15;
	s24 =	sadd.s32 $0x980, s15;
	s19 =	sadd.s32 $0xB00, s15;
	v3, _, _ =	vpop (xrf0);
	(xrf0) =	vadd.scan.msk.s32 $0xffff, v11  }
0x83: {  	s29 =	sadd.s32 $0x600, s15;
	s30 =	sadd.s32 $0x680, s15;
	(v2sf) =	vpush v2, $0xF;
	v2, _, _ =	vpop (xrf0);
	(xrf0) =	vadd.scan.msk.s32 $0xffff, v12  }
0x84: {  	s21 =	sadd.s32 $0xA80, s15;
	v5, _, _ =	vpop (xrf0);
	(xrf0) =	vadd.scan.msk.s32 $0xffff, v0  }
0x85: {  	s26 =	sadd.s32 $0x880, s15;
	(v2sf) =	vpush v4, $0xF;
	v0, _, _ =	vpop (xrf0)  }
0x86: {  	v4, _, _ =	vpop (xrf0)  }
0x87: {  	v6, _, _ =	vpop (xrf0)  }
0x88: {  	(v2sf) =	vpush v1, $0xF;
	v1, _, _ =	vpop (xrf0)  }
0x89: {  	v7, _, _ =	vpop (xrf0)  }
0x8a: {  	s22 =	sadd.s32 $0xB80, s15;
	s14 =	sadd.s32 $0x10, s14;
	s16 =	sadd.s32 $0x10, s16;
	(v2sf) =	vpush v3, $0xF;
	v3, _, _ =	vpop (xrf0)  }
0x8b: {  	s31 =	sadd.s32 $0x780, s15;
	s17 =	sadd.s32 $0x10, s17;
	s23 =	spop (v2sf)  }
0x8c: {  	s0 =	sshll.u32 s23, $0x4;
	s23 =	sadd.s32 $0xD80, s15;
	s1 =	spop (v2sf)  }
0x8d: {  	s0 =	sand.u32 $0x1FFFFFF0, s0;
	s1 =	sshll.u32 s1, $0x4;
	s11 =	spop (v2sf);
	(v2sf) =	vpush v2, $0xF  }
0x8e: {  	s0 =	sadd.s32 s3, s0;
	s1 =	sand.u32 $0x1FFFFFF0, s1;
	s11 =	sshll.u32 s11, $0x4;
	(v2sf) =	vpush v5, $0xF  }
0x8f: {  	[tilespmem:s29], [sflag:$0x1] =	stream.linear.gather [hbm4b:s0+s2], $0x80, $0x38;
	[tilespmem:$0x10600] =	vst v63  }
0x90: {  	s0 =	sadd.s32 s3, s1;
	s1 =	sand.u32 $0x1FFFFFF0, s11;
	s11 =	spop (v2sf)  }
0x91: {  	[tilespmem:s30], [sflag:$0x1] =	stream.linear.gather [hbm4b:s0+s2], $0x80, $0x38;
	[tilespmem:$0x10600] =	vst v63  }
0x92: {  	s0 =	sadd.s32 s3, s1;
	s1 =	sshll.u32 s11, $0x4;
	s11 =	spop (v2sf);
	(v2sf) =	vpush v0, $0xF  }
0x93: {  	[tilespmem:s28], [sflag:$0x1] =	stream.linear.gather [hbm4b:s0+s2], $0x80, $0x38;
	[tilespmem:$0x10600] =	vst v63  }
0x94: {  	s0 =	sand.u32 $0x1FFFFFF0, s1;
	s1 =	sshll.u32 s11, $0x4;
	s11 =	spop (v2sf);
	(v2sf) =	vpush v4, $0xF  }
0x95: {  	s28 =	sadd.s32 $0x900, s15;
	s0 =	sadd.s32 s3, s0;
	s1 =	sand.u32 $0x1FFFFFF0, s1  }
0x96: {  	[tilespmem:s31], [sflag:$0x1] =	stream.linear.gather [hbm4b:s0+s2], $0x80, $0x38;
	(v2sf) =	vpush v6, $0xF;
	[tilespmem:$0x10600] =	vst v63  }
0x97: {  	s0 =	sadd.s32 s3, s1;
	s1 =	sshll.u32 s11, $0x4;
	s11 =	spop (v2sf)  }
0x98: {  	[tilespmem:s25], [sflag:$0x1] =	stream.linear.gather [hbm4b:s0+s2], $0x80, $0x38;
	[tilespmem:$0x10600] =	vst v63  }
0x99: {  	s0 =	sand.u32 $0x1FFFFFF0, s1;
	s1 =	sshll.u32 s11, $0x4;
	s11 =	spop (v2sf);
	(v2sf) =	vpush v1, $0xF  }
0x9a: {  	s0 =	sadd.s32 s3, s0;
	s1 =	sand.u32 $0x1FFFFFF0, s1;
	s11 =	sshll.u32 s11, $0x4  }
0x9b: {  	[tilespmem:s26], [sflag:$0x1] =	stream.linear.gather [hbm4b:s0+s2], $0x80, $0x38;
	[tilespmem:$0x10600] =	vst v63  }
0x9c: {  	(v2sf) =	vpush v7, $0xF;
	s0 =	sadd.s32 s3, s1  }
.Ltmp0:
0x9d: {  	s1 =	sand.u32 $0x1FFFFFF0, s11;
	s11 =	spop (v2sf);
	(pc) =	sbr.rel @p0 .LBB2_2-.Ltmp0, $4  }
0x9e: {  	s25 =	sadd.s32 $0xC80, s15;
	s11 =	sshll.u32 s11, $0x4;
	s29 =	spop (v2sf);
	(v2sf) =	vpush v3, $0xF  }
0x9f: {  	[tilespmem:s28], [sflag:$0x1] =	stream.linear.gather [hbm4b:s0+s2], $0x80, $0x38;
	[tilespmem:$0x10600] =	vst v63  }
0xa0: {  	s0 =	sadd.s32 s3, s1;
	s26 =	sand.u32 $0x1FFFFFF0, s11;
	s28 =	sshll.u32 s29, $0x4  }
0xa1: {  	[tilespmem:s24], [sflag:$0x1] =	stream.linear.gather [hbm4b:s0+s2], $0x80, $0x38;
	[tilespmem:$0x10600] =	vst v63  }
0xa2: {  	s0 =	sadd.s32 s3, s26;
	s11 =	spop (v2sf)  }
0xa3: {  	[tilespmem:s20], [sflag:$0x1] =	stream.linear.gather [hbm4b:s0+s2], $0x80, $0x38;
	[tilespmem:$0x10600] =	vst v63  }
0xa4: {  	s1 =	sand.u32 $0x1FFFFFF0, s28;
	s30 =	sshll.u32 s11, $0x4;
	s31 =	spop (v2sf)  }
0xa5: {  	s29 =	sadd.s32 s3, s1;
	s1 =	sand.u32 $0x1FFFFFF0, s30;
	s13 =	sshll.u32 s31, $0x4  }
0xa6: {  	[tilespmem:s21], [sflag:$0x1] =	stream.linear.gather [hbm4b:s29+s2], $0x80, $0x38;
	[tilespmem:$0x10600] =	vst v63  }
0xa7: {  	s14 =	spop (v2sf);
	s0 =	sadd.s32 s3, s1;
	s1 =	sand.u32 $0x1FFFFFF0, s13  }
0xa8: {  	[tilespmem:s19], [sflag:$0x1] =	stream.linear.gather [hbm4b:s0+s2], $0x80, $0x38;
	[tilespmem:$0x10600] =	vst v63  }
0xa9: {  	s11 =	sshll.u32 s14, $0x4;
	s16 =	sadd.s32 s3, s1;
	s19 =	spop (v2sf)  }
0xaa: {  	[tilespmem:s22], [sflag:$0x1] =	stream.linear.gather [hbm4b:s16+s2], $0x80, $0x38;
	[tilespmem:$0x10600] =	vst v63  }
0xab: {  	s17 =	sand.u32 $0x1FFFFFF0, s11;
	s21 =	sshll.u32 s19, $0x4  }
0xac: {  	s20 =	sadd.s32 s3, s17;
	s24 =	sand.u32 $0x1FFFFFF0, s21;
	s22 =	spop (v2sf)  }
0xad: {  	[tilespmem:s18], [sflag:$0x1] =	stream.linear.gather [hbm4b:s20+s2], $0x80, $0x38;
	[tilespmem:$0x10600] =	vst v63  }
0xae: {  	s0 =	sadd.s32 s3, s24;
	s26 =	sshll.u32 s22, $0x4;
	s28 =	spop (v2sf)  }
0xaf: {  	[tilespmem:s25], [sflag:$0x1] =	stream.linear.gather [hbm4b:s0+s2], $0x80, $0x38;
	[tilespmem:$0x10600] =	vst v63  }
0xb0: {  	s1 =	sand.u32 $0x1FFFFFF0, s26;
	s11 =	sshll.u32 s28, $0x4  }
0xb1: {  	s29 =	sadd.s32 $0xD00, s15;
	s1 =	sadd.s32 s3, s1;
	s11 =	sand.u32 $0x1FFFFFF0, s11  }
0xb2: {  	[tilespmem:s29], [sflag:$0x1] =	stream.linear.gather [hbm4b:s1+s2], $0x80, $0x38;
	[tilespmem:$0x10600] =	vst v63  }
0xb3: {  	s30 =	sadd.s32 s3, s11  }
0xb4: {  	[tilespmem:s23], [sflag:$0x1] =	stream.linear.gather [hbm4b:s30+s2], $0x80, $0x38;
	[tilespmem:$0x10600] =	vst v63  }
0xb5: {  	s12 =	sadd.s32 $0x1, s12;
	_ =	swait.ge [sflag:s10], $0x10000  }
0xb6: {  	p0 =	sne.s32 s12, s8;
	[sflag:s10] =	ssyncset.done $0x0  }
.Ltmp1:
0xb7: {  	s31 =	simm.s32 $0x600;
	[sflag:s10] =	ssyncadd.s32 $0xFFFF0000;
	(pc) =	sbr.rel @p0 .LBB2_1-.Ltmp1, $4  }
0xb8: {  	[hbm4b:s7+s2] =	stream.linear.scatter [tilespmem:s31], [sflag:$0x2], $0x10000, $0x38;
	[tilespmem:$0x10600] =	vst v63  }
0xb9: {  	_ =	swait.ge [sflag:s9], $0x10000  }
0xba: {  	[sflag:s9] =	ssyncset.done $0x0  }
0xbb: {  	[sflag:s9] =	ssyncadd.s32 $0xFFFF0000  }
0xbc: {  	_ =	sfence.sel $0x180000  }
0xbd: {  	[bflag:$0x0] =	sbarrier.arrive $0xFFFF  }
0xbe: {  	_ =	strace $0x90000047  }
0xbf: {  	s0 =	stileid.u32;
	[bflag:$0x2] =	sbarrier.arrive $0xFFFF  }
0xc0: {  	p0 =	sne.s32 s0, $0x0;
	s0 =	rddreg [dreg:$0x4]  }
0xc1: {  	s0 =	sadd.s32 @!p0 $0x100000, s0  }
0xc2: {  	[sflag:s0] =	ssyncadd.tile.s32 @!p0 $0x1;
	_ =	shalt  }
.Lfunc_end2:
_tile_overlayer_lowered:
.L_overlay_start_2:
0xc3: {  	(tag) =	ssettag $0x2  }
0xc4: {  	s0 =	rddreg [dreg:$0x0];
	s2 =	stileid.u32  }
0xc5: {  	s1 =	rddreg [dreg:$0x1];
	p0 =	sne.s32 s2, $0x0  }
0xc6: {  	s3 =	rddreg [dreg:$0x2];
	[bflag:$0x3] =	sbarrier.arrive $0xFFFF;
	s2 =	simm.s32 @!p0 $0x1C02  }
0xc7: {  	[timem:s3], [sflag:s2] =	dma.local @!p0 [hbm:s0], s1  }
0xc8: {  	s0 =	simm.s32 @!p0 $0x2  }
0xc9: {  	_ =	swait.ge @!p0 [sflag:s0], s1  }
0xca: {  	s1 =	ssub.s32 @!p0 $0x0, s1;
	[sflag:s0] =	ssyncset.done @!p0 $0x0  }
0xcb: {  	[sflag:s0] =	ssyncadd.s32 @!p0 s1  }
0xcc: {  	[bflag:$0x3] =	sbarrier.arrive $0xFFFF  }
0xcd: {  	_ =	shalt  }

</sc_bundles>
